<compile_context>
chip_gen: v7x
topology: tpu7x:2x2x1
jax: 0.10.2.dev20260603
libtpu: 0.0.44.dev20260713+nightly
codegen_flags: <defaults>
</compile_context>

<pallas_src>
import jax
import jax.numpy as jnp
import numpy as np
from jax.experimental import pallas as pl
from jax.experimental.pallas import tpu as pltpu

_BN_EPS = 1e-5


def _fold_layer(p):
    s = p["gamma"] / jnp.sqrt(1.0 + _BN_EPS)
    wt = (p["W"] * s[:, None]).T
    b = (p["b"] * s + p["beta"]).reshape(1, -1)
    return wt, b


def _mlp_rows(h, wrefs, nlayers):
    for i in range(nlayers):
        wt = wrefs[2 * i][...]
        b = wrefs[2 * i + 1][...]
        h = jnp.dot(h, wt, preferred_element_type=jnp.float32) + b
        h = jnp.maximum(h, 0.0)
    return h


def _sa_mlp_max(x, layers, s_tile):
    B, S, K, C = x.shape
    nlayers = len(layers)
    c_last = layers[-1]["W"].shape[0]
    wb = []
    for p in layers:
        wt, b = _fold_layer(p)
        wb += [wt, b]

    def kern(x_ref, *refs):
        out_ref = refs[-1]
        h = x_ref[0].reshape(s_tile * K, C)
        h = _mlp_rows(h, refs[:-1], nlayers)
        out_ref[0] = h.reshape(s_tile, K, c_last).max(axis=1)

    in_specs = [pl.BlockSpec((1, s_tile, K, C), lambda b, s: (b, s, 0, 0))]
    for a in wb:
        in_specs.append(pl.BlockSpec(a.shape, lambda b, s: (0,) * a.ndim))
    return pl.pallas_call(
        kern,
        grid=(B, S // s_tile),
        in_specs=in_specs,
        out_specs=pl.BlockSpec((1, s_tile, c_last), lambda b, s: (b, s, 0)),
        out_shape=jax.ShapeDtypeStruct((B, S, c_last), jnp.float32),
    )(x, *wb)


def _pt_mlp(x, layers, n_tile):
    B, N, C = x.shape
    nlayers = len(layers)
    c_last = layers[-1]["W"].shape[0]
    wb = []
    for p in layers:
        wt, b = _fold_layer(p)
        wb += [wt, b]

    def kern(x_ref, *refs):
        out_ref = refs[-1]
        out_ref[0] = _mlp_rows(x_ref[0], refs[:-1], nlayers)

    in_specs = [pl.BlockSpec((1, n_tile, C), lambda b, n: (b, n, 0))]
    for a in wb:
        in_specs.append(pl.BlockSpec(a.shape, lambda b, n: (0,) * a.ndim))
    return pl.pallas_call(
        kern,
        grid=(B, N // n_tile),
        in_specs=in_specs,
        out_specs=pl.BlockSpec((1, n_tile, c_last), lambda b, n: (b, n, 0)),
        out_shape=jax.ShapeDtypeStruct((B, N, c_last), jnp.float32),
    )(x, *wb)


def _head(x, conv1, conv2, n_tile):
    B, N, C = x.shape
    w1, b1 = _fold_layer(conv1)
    w2 = conv2["W"].T
    b2 = conv2["b"].reshape(1, -1)
    c_out = w2.shape[1]

    def kern(x_ref, w1_ref, b1_ref, w2_ref, b2_ref, out_ref):
        h = x_ref[0]
        h = jnp.maximum(
            jnp.dot(h, w1_ref[...], preferred_element_type=jnp.float32) + b1_ref[...],
            0.0,
        )
        logits = jnp.dot(h, w2_ref[...], preferred_element_type=jnp.float32) + b2_ref[...]
        m = jnp.max(logits, axis=-1, keepdims=True)
        sh = logits - m
        lse = jnp.log(jnp.sum(jnp.exp(sh), axis=-1, keepdims=True))
        out_ref[0] = sh - lse

    in_specs = [pl.BlockSpec((1, n_tile, C), lambda b, n: (b, n, 0))]
    for a in (w1, b1, w2, b2):
        in_specs.append(pl.BlockSpec(a.shape, lambda b, n: (0,) * a.ndim))
    return pl.pallas_call(
        kern,
        grid=(B, N // n_tile),
        in_specs=in_specs,
        out_specs=pl.BlockSpec((1, n_tile, c_out), lambda b, n: (b, n, 0)),
        out_shape=jax.ShapeDtypeStruct((B, N, c_out), jnp.float32),
    )(x, w1, b1, w2, b2)




def _sqdist(src, dst):
    d = -2.0 * jnp.einsum("bnc,bmc->bnm", src, dst)
    d = d + jnp.sum(src**2, -1)[:, :, None]
    d = d + jnp.sum(dst**2, -1)[:, None, :]
    return d


def _gather_pts(points, idx):
    return jax.vmap(lambda p, i: p[i])(points, idx)


def _fps(xyz, npoint):
    B, N, _ = xyz.shape

    def body(i, state):
        centroids, distance, farthest = state
        centroids = centroids.at[:, i].set(farthest)
        centroid = _gather_pts(xyz, farthest[:, None])
        dist = jnp.sum((xyz - centroid) ** 2, -1)
        distance = jnp.minimum(distance, dist)
        farthest = jnp.argmax(distance, -1).astype(jnp.int32)
        return (centroids, distance, farthest)

    centroids = jnp.zeros((B, npoint), jnp.int32)
    distance = jnp.full((B, N), 1e10, jnp.float32)
    farthest = jnp.zeros((B,), jnp.int32)
    centroids, _, _ = jax.lax.fori_loop(0, npoint, body, (centroids, distance, farthest))
    return centroids


def _ball_query(radius, nsample, xyz, new_xyz):
    B, N, _ = xyz.shape
    S = new_xyz.shape[1]
    sqrdists = _sqdist(new_xyz, xyz)
    group_idx = jnp.broadcast_to(jnp.arange(N, dtype=jnp.int32), (B, S, N))
    group_idx = jnp.where(sqrdists > radius**2, N, group_idx)
    group_idx = jnp.sort(group_idx, axis=-1)[:, :, :nsample]
    group_first = jnp.broadcast_to(group_idx[:, :, :1], group_idx.shape)
    group_idx = jnp.where(group_idx == N, group_first, group_idx)
    return group_idx


def _three_interp(xyz1, xyz2, points2):
    dists = _sqdist(xyz1, xyz2)
    neg_d, idx = jax.lax.top_k(-dists, 3)
    d = -neg_d
    recip = 1.0 / (d + 1e-8)
    weight = recip / jnp.sum(recip, axis=2, keepdims=True)
    return jnp.sum(_gather_pts(points2, idx) * weight[..., None], axis=2)


def _set_abstraction(xyz, points, layers, npoint, radius, nsample, s_tile):
    fps_idx = _fps(xyz, npoint)
    new_xyz = _gather_pts(xyz, fps_idx)
    idx = _ball_query(radius, nsample, xyz, new_xyz)
    grouped_xyz = _gather_pts(xyz, idx) - new_xyz[:, :, None, :]
    grouped_points = _gather_pts(points, idx)
    grouped = jnp.concatenate([grouped_xyz, grouped_points], axis=-1)
    new_points = _sa_mlp_max(grouped, layers, s_tile)
    return new_xyz, new_points


def kernel(xyz, cls_label, params):
    B, _, N = xyz.shape
    xyz_t = jnp.transpose(xyz, (0, 2, 1))
    l0_points = xyz_t

    l1_xyz, l1_points = _set_abstraction(
        xyz_t, l0_points, params["sa1"], 512, 0.2, 32, s_tile=128
    )
    l2_xyz, l2_points = _set_abstraction(
        l1_xyz, l1_points, params["sa2"], 128, 0.4, 64, s_tile=32
    )
    g3 = jnp.concatenate([l2_xyz, l2_points], axis=-1)[:, None, :, :]
    l3_points = _sa_mlp_max(g3, params["sa3"], s_tile=1)

    interp = jnp.broadcast_to(l3_points, (B, 128, 1024))
    f = jnp.concatenate([l2_points, interp], axis=-1)
    l2_points = _pt_mlp(f, params["fp3"], n_tile=128)

    interp = _three_interp(l1_xyz, l2_xyz, l2_points)
    f = jnp.concatenate([l1_points, interp], axis=-1)
    l1_points = _pt_mlp(f, params["fp2"], n_tile=512)

    interp = _three_interp(xyz_t, l1_xyz, l1_points)
    cls_oh = jnp.broadcast_to(cls_label[:, None, :], (B, N, 16))
    f = jnp.concatenate([cls_oh, xyz_t, l0_points, interp], axis=-1)
    l0 = _pt_mlp(f, params["fp1"], n_tile=512)

    x = _head(l0, params["conv1"], params["conv2"], n_tile=512)
    return x, jnp.transpose(l3_points, (0, 2, 1))

# --- scband reference (transcript-rebuilt; emitter-appended) ---
"""Pipeline reference for scband-pointnetplus-seg-2061584302576 (READ-ONLY COPY).

The authoritative reference and input builder live on the scoring server;
editing this copy changes nothing except your own understanding.
"""

import jax, jax.numpy as jnp
import numpy as np

BN_EPS = 1e-5

def _dense_params(key, c_in, c_out):
    W = jax.random.normal(key, (c_out, c_in), dtype=jnp.float32) * (1.0 / np.sqrt(c_in))
    return {"W": W, "b": jnp.zeros((c_out,), jnp.float32), "gamma": jnp.ones((c_out,), jnp.float32), "beta": jnp.zeros((c_out,), jnp.float32)}

def _mlp_params(key, c_in, mlp):
    layers = []
    for i, c_out in enumerate(mlp):
        layers.append(_dense_params(jax.random.fold_in(key, i), c_in, c_out))
        c_in = c_out
    return layers

def _conv_bn_relu(p, x):
    y = jnp.einsum('oc,bc...->bo...', p["W"], x)
    shape = (1, -1) + (1,) * (x.ndim - 2)
    y = y + p["b"].reshape(shape)
    y = y * (p["gamma"] / jnp.sqrt(1.0 + BN_EPS)).reshape(shape) + p["beta"].reshape(shape)
    return jax.nn.relu(y)

def square_distance(src, dst):
    d = -2.0 * jnp.einsum('bnc,bmc->bnm', src, dst)
    d = d + jnp.sum(src ** 2, -1)[:, :, None]
    d = d + jnp.sum(dst ** 2, -1)[:, None, :]
    return d

def index_points(points, idx):
    return jax.vmap(lambda p, i: p[i])(points, idx)

def farthest_point_sample(xyz, npoint):
    B, N, _ = xyz.shape
    def body(i, state):
        centroids, distance, farthest = state
        centroids = centroids.at[:, i].set(farthest)
        centroid = index_points(xyz, farthest[:, None])
        dist = jnp.sum((xyz - centroid) ** 2, -1)
        distance = jnp.minimum(distance, dist)
        farthest = jnp.argmax(distance, -1).astype(jnp.int32)
        return (centroids, distance, farthest)
    centroids = jnp.zeros((B, npoint), jnp.int32)
    distance = jnp.full((B, N), 1e10, jnp.float32)
    farthest = jnp.zeros((B,), jnp.int32)
    centroids, _, _ = jax.lax.fori_loop(0, npoint, body, (centroids, distance, farthest))
    return centroids

def query_ball_point(radius, nsample, xyz, new_xyz):
    B, N, _ = xyz.shape
    S = new_xyz.shape[1]
    sqrdists = square_distance(new_xyz, xyz)
    group_idx = jnp.broadcast_to(jnp.arange(N, dtype=jnp.int32), (B, S, N))
    group_idx = jnp.where(sqrdists > radius ** 2, N, group_idx)
    group_idx = jnp.sort(group_idx, axis=-1)[:, :, :nsample]
    group_first = jnp.broadcast_to(group_idx[:, :, :1], group_idx.shape)
    group_idx = jnp.where(group_idx == N, group_first, group_idx)
    return group_idx

def set_abstraction(layers, xyz, points, npoint, radius, nsample, group_all):
    xyz_t = jnp.transpose(xyz, (0, 2, 1))
    points_t = jnp.transpose(points, (0, 2, 1))
    if group_all:
        B, N, C = xyz_t.shape
        new_xyz = jnp.zeros((B, 1, C), xyz_t.dtype)
        new_points = jnp.concatenate([xyz_t, points_t], axis=-1)[:, None, :, :]
    else:
        fps_idx = farthest_point_sample(jax.lax.stop_gradient(xyz_t), npoint)
        new_xyz = index_points(xyz_t, fps_idx)
        idx = query_ball_point(radius, nsample, jax.lax.stop_gradient(xyz_t), jax.lax.stop_gradient(new_xyz))
        grouped_xyz = index_points(xyz_t, idx) - new_xyz[:, :, None, :]
        grouped_points = index_points(points_t, idx)
        new_points = jnp.concatenate([grouped_xyz, grouped_points], axis=-1)
    new_points = jnp.transpose(new_points, (0, 3, 2, 1))
    for p in layers:
        new_points = _conv_bn_relu(p, new_points)
    new_points = jnp.max(new_points, axis=2)
    return jnp.transpose(new_xyz, (0, 2, 1)), new_points

def feature_propagation(layers, xyz1, xyz2, points1, points2):
    xyz1_t = jnp.transpose(xyz1, (0, 2, 1))
    xyz2_t = jnp.transpose(xyz2, (0, 2, 1))
    points2_t = jnp.transpose(points2, (0, 2, 1))
    B, N, _ = xyz1_t.shape
    S = xyz2_t.shape[1]
    if S == 1:
        interpolated = jnp.broadcast_to(points2_t, (B, N, points2_t.shape[2]))
    else:
        dists = square_distance(xyz1_t, xyz2_t)
        neg_d, idx = jax.lax.top_k(-dists, 3)
        d = -neg_d
        recip = 1.0 / (d + 1e-8)
        weight = recip / jnp.sum(recip, axis=2, keepdims=True)
        interpolated = jnp.sum(index_points(points2_t, idx) * weight[..., None], axis=2)
    if points1 is not None:
        points1_t = jnp.transpose(points1, (0, 2, 1))
        new_points = jnp.concatenate([points1_t, interpolated], axis=-1)
    else:
        new_points = interpolated
    new_points = jnp.transpose(new_points, (0, 2, 1))
    for p in layers:
        new_points = _conv_bn_relu(p, new_points)
    return new_points

def model_forward(xyz, cls_label, params):
    B, C, N = xyz.shape
    l0_points = xyz
    l0_xyz = xyz
    l1_xyz, l1_points = set_abstraction(params["sa1"], l0_xyz, l0_points, 512, 0.2, 32, False)
    l2_xyz, l2_points = set_abstraction(params["sa2"], l1_xyz, l1_points, 128, 0.4, 64, False)
    l3_xyz, l3_points = set_abstraction(params["sa3"], l2_xyz, l2_points, None, None, None, True)
    l2_points = feature_propagation(params["fp3"], l2_xyz, l3_xyz, l2_points, l3_points)
    l1_points = feature_propagation(params["fp2"], l1_xyz, l2_xyz, l1_points, l2_points)
    cls_one_hot = jnp.broadcast_to(cls_label[:, :, None], (B, 16, N))
    l0_points = feature_propagation(params["fp1"], l0_xyz, l1_xyz, jnp.concatenate([cls_one_hot, l0_xyz, l0_points], axis=1), l1_points)
    feat = _conv_bn_relu(params["conv1"], l0_points)
    x = jnp.einsum('oc,bcn->bon', params["conv2"]["W"], feat) + params["conv2"]["b"][None, :, None]
    x = jax.nn.log_softmax(x, axis=1)
    x = jnp.transpose(x, (0, 2, 1))
    return x, l3_points

def _make_params(key):
    return {
        "sa1": _mlp_params(jax.random.fold_in(key, 10), 6, [64, 64, 128]),
        "sa2": _mlp_params(jax.random.fold_in(key, 11), 131, [128, 128, 256]),
        "sa3": _mlp_params(jax.random.fold_in(key, 12), 259, [256, 512, 1024]),
        "fp3": _mlp_params(jax.random.fold_in(key, 13), 1280, [256, 256]),
        "fp2": _mlp_params(jax.random.fold_in(key, 14), 384, [256, 128]),
        "fp1": _mlp_params(jax.random.fold_in(key, 15), 150, [128, 128, 128]),
        "conv1": _dense_params(jax.random.fold_in(key, 16), 128, 128),
        "conv2": _dense_params(jax.random.fold_in(key, 17), 128, 50),
    }

def setup_inputs(seed: int = 0):
    key = jax.random.key(seed)
    B, N = 16, 2048
    xyz = jax.random.normal(jax.random.fold_in(key, 1), (B, 3, N), dtype=jnp.float32)
    cls_label = jax.random.uniform(jax.random.fold_in(key, 2), (B, 16), dtype=jnp.float32)
    return {"xyz": xyz, "cls_label": cls_label, "params": _make_params(key)}

def reference(xyz, cls_label, params):
    return model_forward(xyz, cls_label, params)

if __name__ == "__main__":
    import jax
    _d = setup_inputs()
    print(jax.jit(kernel)(*tuple(_d.values())))

</pallas_src>

<mosaic_0001>
module attributes {stable_mosaic.version = 14 : i64} {
  func.func @kern(%arg0: i32, %arg1: i32, %arg2: memref<1x128x32x6xf32, #tpu.memory_space<vmem>>, %arg3: memref<6x64xf32, #tpu.memory_space<vmem>>, %arg4: memref<1x64xf32, #tpu.memory_space<vmem>>, %arg5: memref<64x64xf32, #tpu.memory_space<vmem>>, %arg6: memref<1x64xf32, #tpu.memory_space<vmem>>, %arg7: memref<64x128xf32, #tpu.memory_space<vmem>>, %arg8: memref<1x128xf32, #tpu.memory_space<vmem>>, %arg9: memref<1x128x128xf32, #tpu.memory_space<vmem>>) attributes {dimension_semantics = [#tpu.dimension_semantics<arbitrary>, #tpu.dimension_semantics<arbitrary>], iteration_bounds = array<i64: 16, 4>, scalar_prefetch = 0 : i64, scratch_operands = 0 : i64, tpu.core_type = #tpu.core_type<tc>, window_params = [{transform_indices = @transform_0, window_bounds = array<i64: 1, 128, 32, 6>}, {pipeline_mode = #tpu.pipeline_mode<synchronous>, transform_indices = @transform_1, window_bounds = array<i64: 6, 64>}, {pipeline_mode = #tpu.pipeline_mode<synchronous>, transform_indices = @transform_2, window_bounds = array<i64: 1, 64>}, {pipeline_mode = #tpu.pipeline_mode<synchronous>, transform_indices = @transform_3, window_bounds = array<i64: 64, 64>}, {pipeline_mode = #tpu.pipeline_mode<synchronous>, transform_indices = @transform_4, window_bounds = array<i64: 1, 64>}, {pipeline_mode = #tpu.pipeline_mode<synchronous>, transform_indices = @transform_5, window_bounds = array<i64: 64, 128>}, {pipeline_mode = #tpu.pipeline_mode<synchronous>, transform_indices = @transform_6, window_bounds = array<i64: 1, 128>}, {transform_indices = @transform_7, window_bounds = array<i64: 1, 128, 128>}]} {
    %get3A = arith.constant 0 : index
    %get3A_0 = arith.constant 0 : index
    %get3A_1 = arith.constant 0 : index
    %get3A_2 = arith.constant 0 : index
    %get3A_3 = vector.load %arg2[%get3A, %get3A_0, %get3A_1, %get3A_2] : memref<1x128x32x6xf32, #tpu.memory_space<vmem>>, vector<1x128x32x6xf32>
    %get3A_4 = vector.shape_cast %get3A_3 : vector<1x128x32x6xf32> to vector<128x32x6xf32>
    %reshape3A = vector.shape_cast %get3A_4 : vector<128x32x6xf32> to vector<4096x6xf32>
    %get3A_5 = arith.constant 0 : index
    %get3A_6 = arith.constant 0 : index
    %get3A_7 = vector.load %arg3[%get3A_5, %get3A_6] : memref<6x64xf32, #tpu.memory_space<vmem>>, vector<6x64xf32>
    %get3A_8 = arith.constant 0 : index
    %get3A_9 = arith.constant 0 : index
    %get3A_10 = vector.load %arg4[%get3A_8, %get3A_9] : memref<1x64xf32, #tpu.memory_space<vmem>>, vector<1x64xf32>
    %dot_general3A = arith.constant dense<0.000000e+00> : vector<4096x64xf32>
    %dot_general3A_11 = tpu.matmul %reshape3A, %get3A_7, %dot_general3A {dimension_numbers = #tpu.dot_dimension_numbers<[1], [0], [0], [1], [0, 0, 1, 1], [], []>, transpose_lhs_hint = false} : vector<4096x6xf32>, vector<6x64xf32>, vector<4096x64xf32> -> vector<4096x64xf32>
    %add3A = vector.broadcast %get3A_10 : vector<1x64xf32> to vector<4096x64xf32>
    %add3A_12 = arith.addf %dot_general3A_11, %add3A : vector<4096x64xf32>
    %max3A = arith.constant 0.000000e+00 : f32
    %max3A_13 = vector.broadcast %max3A : f32 to vector<4096x64xf32>
    %max3A_14 = arith.maximumf %add3A_12, %max3A_13 : vector<4096x64xf32>
    %get3A_15 = arith.constant 0 : index
    %get3A_16 = arith.constant 0 : index
    %get3A_17 = vector.load %arg5[%get3A_15, %get3A_16] : memref<64x64xf32, #tpu.memory_space<vmem>>, vector<64x64xf32>
    %get3A_18 = arith.constant 0 : index
    %get3A_19 = arith.constant 0 : index
    %get3A_20 = vector.load %arg6[%get3A_18, %get3A_19] : memref<1x64xf32, #tpu.memory_space<vmem>>, vector<1x64xf32>
    %dot_general3A_21 = arith.constant dense<0.000000e+00> : vector<4096x64xf32>
    %dot_general3A_22 = tpu.matmul %max3A_14, %get3A_17, %dot_general3A_21 {dimension_numbers = #tpu.dot_dimension_numbers<[1], [0], [0], [1], [0, 0, 1, 1], [], []>, transpose_lhs_hint = false} : vector<4096x64xf32>, vector<64x64xf32>, vector<4096x64xf32> -> vector<4096x64xf32>
    %add3A_23 = vector.broadcast %get3A_20 : vector<1x64xf32> to vector<4096x64xf32>
    %add3A_24 = arith.addf %dot_general3A_22, %add3A_23 : vector<4096x64xf32>
    %max3A_25 = arith.constant 0.000000e+00 : f32
    %max3A_26 = vector.broadcast %max3A_25 : f32 to vector<4096x64xf32>
    %max3A_27 = arith.maximumf %add3A_24, %max3A_26 : vector<4096x64xf32>
    %get3A_28 = arith.constant 0 : index
    %get3A_29 = arith.constant 0 : index
    %get3A_30 = vector.load %arg7[%get3A_28, %get3A_29] : memref<64x128xf32, #tpu.memory_space<vmem>>, vector<64x128xf32>
    %get3A_31 = arith.constant 0 : index
    %get3A_32 = arith.constant 0 : index
    %get3A_33 = vector.load %arg8[%get3A_31, %get3A_32] : memref<1x128xf32, #tpu.memory_space<vmem>>, vector<1x128xf32>
    %dot_general3A_34 = arith.constant dense<0.000000e+00> : vector<4096x128xf32>
    %dot_general3A_35 = tpu.matmul %max3A_27, %get3A_30, %dot_general3A_34 {dimension_numbers = #tpu.dot_dimension_numbers<[1], [0], [0], [1], [0, 0, 1, 1], [], []>, transpose_lhs_hint = false} : vector<4096x64xf32>, vector<64x128xf32>, vector<4096x128xf32> -> vector<4096x128xf32>
    %add3A_36 = vector.broadcast %get3A_33 : vector<1x128xf32> to vector<4096x128xf32>
    %add3A_37 = arith.addf %dot_general3A_35, %add3A_36 : vector<4096x128xf32>
    %max3A_38 = arith.constant 0.000000e+00 : f32
    %max3A_39 = vector.broadcast %max3A_38 : f32 to vector<4096x128xf32>
    %max3A_40 = arith.maximumf %add3A_37, %max3A_39 : vector<4096x128xf32>
    %reshape3A_41 = vector.shape_cast %max3A_40 : vector<4096x128xf32> to vector<128x32x128xf32>
    %reduce_max3A = arith.constant dense<0xFF800000> : vector<128x128xf32>
    %reduce_max3A_42 = vector.multi_reduction <maximumf>, %reshape3A_41, %reduce_max3A [1] : vector<128x32x128xf32> to vector<128x128xf32>
    %swap3A = arith.constant 0 : index
    %swap3A_43 = arith.constant 0 : index
    %swap3A_44 = arith.constant 0 : index
    %swap3A_45 = vector.load %arg9[%swap3A, %swap3A_43, %swap3A_44] : memref<1x128x128xf32, #tpu.memory_space<vmem>>, vector<1x128x128xf32>
    %swap3A_46 = vector.shape_cast %swap3A_45 : vector<1x128x128xf32> to vector<128x128xf32>
    %swap3A_47 = vector.shape_cast %reduce_max3A_42 : vector<128x128xf32> to vector<1x128x128xf32>
    tpu.vector_store %arg9[%swap3A, %swap3A_43, %swap3A_44], %swap3A_47 {strides = array<i32>} : memref<1x128x128xf32, #tpu.memory_space<vmem>>, vector<1x128x128xf32>,
    return
  }
  func.func @transform_0(%arg0: i32, %arg1: i32) -> (i32, i32, i32, i32) {
    %c0_i32 = arith.constant 0 : i32
    %c0_i32_0 = arith.constant 0 : i32
    %c0_i32_1 = arith.constant 0 : i32
    return %arg0, %arg1, %c0_i32, %c0_i32_0 : i32, i32, i32, i32
  }
  func.func @transform_1(%arg0: i32, %arg1: i32) -> (i32, i32) {
    %c0_i32 = arith.constant 0 : i32
    %c0_i32_0 = arith.constant 0 : i32
    %c0_i32_1 = arith.constant 0 : i32
    return %c0_i32, %c0_i32_0 : i32, i32
  }
  func.func @transform_2(%arg0: i32, %arg1: i32) -> (i32, i32) {
    %c0_i32 = arith.constant 0 : i32
    %c0_i32_0 = arith.constant 0 : i32
    %c0_i32_1 = arith.constant 0 : i32
    return %c0_i32, %c0_i32_0 : i32, i32
  }
  func.func @transform_3(%arg0: i32, %arg1: i32) -> (i32, i32) {
    %c0_i32 = arith.constant 0 : i32
    %c0_i32_0 = arith.constant 0 : i32
    %c0_i32_1 = arith.constant 0 : i32
    return %c0_i32, %c0_i32_0 : i32, i32
  }
  func.func @transform_4(%arg0: i32, %arg1: i32) -> (i32, i32) {
    %c0_i32 = arith.constant 0 : i32
    %c0_i32_0 = arith.constant 0 : i32
    %c0_i32_1 = arith.constant 0 : i32
    return %c0_i32, %c0_i32_0 : i32, i32
  }
  func.func @transform_5(%arg0: i32, %arg1: i32) -> (i32, i32) {
    %c0_i32 = arith.constant 0 : i32
    %c0_i32_0 = arith.constant 0 : i32
    %c0_i32_1 = arith.constant 0 : i32
    return %c0_i32, %c0_i32_0 : i32, i32
  }
  func.func @transform_6(%arg0: i32, %arg1: i32) -> (i32, i32) {
    %c0_i32 = arith.constant 0 : i32
    %c0_i32_0 = arith.constant 0 : i32
    %c0_i32_1 = arith.constant 0 : i32
    return %c0_i32, %c0_i32_0 : i32, i32
  }
  func.func @transform_7(%arg0: i32, %arg1: i32) -> (i32, i32, i32) {
    %c0_i32 = arith.constant 0 : i32
    %c0_i32_0 = arith.constant 0 : i32
    return %arg0, %arg1, %c0_i32 : i32, i32, i32
  }
}

module attributes {stable_mosaic.version = 14 : i64} {
  func.func @kern(%arg0: i32, %arg1: i32, %arg2: memref<1x32x64x131xf32, #tpu.memory_space<vmem>>, %arg3: memref<131x128xf32, #tpu.memory_space<vmem>>, %arg4: memref<1x128xf32, #tpu.memory_space<vmem>>, %arg5: memref<128x128xf32, #tpu.memory_space<vmem>>, %arg6: memref<1x128xf32, #tpu.memory_space<vmem>>, %arg7: memref<128x256xf32, #tpu.memory_space<vmem>>, %arg8: memref<1x256xf32, #tpu.memory_space<vmem>>, %arg9: memref<1x32x256xf32, #tpu.memory_space<vmem>>) attributes {dimension_semantics = [#tpu.dimension_semantics<arbitrary>, #tpu.dimension_semantics<arbitrary>], iteration_bounds = array<i64: 16, 4>, scalar_prefetch = 0 : i64, scratch_operands = 0 : i64, tpu.core_type = #tpu.core_type<tc>, window_params = [{transform_indices = @transform_0, window_bounds = array<i64: 1, 32, 64, 131>}, {pipeline_mode = #tpu.pipeline_mode<synchronous>, transform_indices = @transform_1, window_bounds = array<i64: 131, 128>}, {pipeline_mode = #tpu.pipeline_mode<synchronous>, transform_indices = @transform_2, window_bounds = array<i64: 1, 128>}, {pipeline_mode = #tpu.pipeline_mode<synchronous>, transform_indices = @transform_3, window_bounds = array<i64: 128, 128>}, {pipeline_mode = #tpu.pipeline_mode<synchronous>, transform_indices = @transform_4, window_bounds = array<i64: 1, 128>}, {pipeline_mode = #tpu.pipeline_mode<synchronous>, transform_indices = @transform_5, window_bounds = array<i64: 128, 256>}, {pipeline_mode = #tpu.pipeline_mode<synchronous>, transform_indices = @transform_6, window_bounds = array<i64: 1, 256>}, {transform_indices = @transform_7, window_bounds = array<i64: 1, 32, 256>}]} {
    %get3A = arith.constant 0 : index
    %get3A_0 = arith.constant 0 : index
    %get3A_1 = arith.constant 0 : index
    %get3A_2 = arith.constant 0 : index
    %get3A_3 = vector.load %arg2[%get3A, %get3A_0, %get3A_1, %get3A_2] : memref<1x32x64x131xf32, #tpu.memory_space<vmem>>, vector<1x32x64x131xf32>
    %get3A_4 = vector.shape_cast %get3A_3 : vector<1x32x64x131xf32> to vector<32x64x131xf32>
    %reshape3A = vector.shape_cast %get3A_4 : vector<32x64x131xf32> to vector<2048x131xf32>
    %get3A_5 = arith.constant 0 : index
    %get3A_6 = arith.constant 0 : index
    %get3A_7 = vector.load %arg3[%get3A_5, %get3A_6] : memref<131x128xf32, #tpu.memory_space<vmem>>, vector<131x128xf32>
    %get3A_8 = arith.constant 0 : index
    %get3A_9 = arith.constant 0 : index
    %get3A_10 = vector.load %arg4[%get3A_8, %get3A_9] : memref<1x128xf32, #tpu.memory_space<vmem>>, vector<1x128xf32>
    %dot_general3A = arith.constant dense<0.000000e+00> : vector<2048x128xf32>
    %dot_general3A_11 = tpu.matmul %reshape3A, %get3A_7, %dot_general3A {dimension_numbers = #tpu.dot_dimension_numbers<[1], [0], [0], [1], [0, 0, 1, 1], [], []>, transpose_lhs_hint = false} : vector<2048x131xf32>, vector<131x128xf32>, vector<2048x128xf32> -> vector<2048x128xf32>
    %add3A = vector.broadcast %get3A_10 : vector<1x128xf32> to vector<2048x128xf32>
    %add3A_12 = arith.addf %dot_general3A_11, %add3A : vector<2048x128xf32>
    %max3A = arith.constant 0.000000e+00 : f32
    %max3A_13 = vector.broadcast %max3A : f32 to vector<2048x128xf32>
    %max3A_14 = arith.maximumf %add3A_12, %max3A_13 : vector<2048x128xf32>
    %get3A_15 = arith.constant 0 : index
    %get3A_16 = arith.constant 0 : index
    %get3A_17 = vector.load %arg5[%get3A_15, %get3A_16] : memref<128x128xf32, #tpu.memory_space<vmem>>, vector<128x128xf32>
    %get3A_18 = arith.constant 0 : index
    %get3A_19 = arith.constant 0 : index
    %get3A_20 = vector.load %arg6[%get3A_18, %get3A_19] : memref<1x128xf32, #tpu.memory_space<vmem>>, vector<1x128xf32>
    %dot_general3A_21 = arith.constant dense<0.000000e+00> : vector<2048x128xf32>
    %dot_general3A_22 = tpu.matmul %max3A_14, %get3A_17, %dot_general3A_21 {dimension_numbers = #tpu.dot_dimension_numbers<[1], [0], [0], [1], [0, 0, 1, 1], [], []>, transpose_lhs_hint = false} : vector<2048x128xf32>, vector<128x128xf32>, vector<2048x128xf32> -> vector<2048x128xf32>
    %add3A_23 = vector.broadcast %get3A_20 : vector<1x128xf32> to vector<2048x128xf32>
    %add3A_24 = arith.addf %dot_general3A_22, %add3A_23 : vector<2048x128xf32>
    %max3A_25 = arith.constant 0.000000e+00 : f32
    %max3A_26 = vector.broadcast %max3A_25 : f32 to vector<2048x128xf32>
    %max3A_27 = arith.maximumf %add3A_24, %max3A_26 : vector<2048x128xf32>
    %get3A_28 = arith.constant 0 : index
    %get3A_29 = arith.constant 0 : index
    %get3A_30 = vector.load %arg7[%get3A_28, %get3A_29] : memref<128x256xf32, #tpu.memory_space<vmem>>, vector<128x256xf32>
    %get3A_31 = arith.constant 0 : index
    %get3A_32 = arith.constant 0 : index
    %get3A_33 = vector.load %arg8[%get3A_31, %get3A_32] : memref<1x256xf32, #tpu.memory_space<vmem>>, vector<1x256xf32>
    %dot_general3A_34 = arith.constant dense<0.000000e+00> : vector<2048x256xf32>
    %dot_general3A_35 = tpu.matmul %max3A_27, %get3A_30, %dot_general3A_34 {dimension_numbers = #tpu.dot_dimension_numbers<[1], [0], [0], [1], [0, 0, 1, 1], [], []>, transpose_lhs_hint = false} : vector<2048x128xf32>, vector<128x256xf32>, vector<2048x256xf32> -> vector<2048x256xf32>
    %add3A_36 = vector.broadcast %get3A_33 : vector<1x256xf32> to vector<2048x256xf32>
    %add3A_37 = arith.addf %dot_general3A_35, %add3A_36 : vector<2048x256xf32>
    %max3A_38 = arith.constant 0.000000e+00 : f32
    %max3A_39 = vector.broadcast %max3A_38 : f32 to vector<2048x256xf32>
    %max3A_40 = arith.maximumf %add3A_37, %max3A_39 : vector<2048x256xf32>
    %reshape3A_41 = vector.shape_cast %max3A_40 : vector<2048x256xf32> to vector<32x64x256xf32>
    %reduce_max3A = arith.constant dense<0xFF800000> : vector<32x256xf32>
    %reduce_max3A_42 = vector.multi_reduction <maximumf>, %reshape3A_41, %reduce_max3A [1] : vector<32x64x256xf32> to vector<32x256xf32>
    %swap3A = arith.constant 0 : index
    %swap3A_43 = arith.constant 0 : index
    %swap3A_44 = arith.constant 0 : index
    %swap3A_45 = vector.load %arg9[%swap3A, %swap3A_43, %swap3A_44] : memref<1x32x256xf32, #tpu.memory_space<vmem>>, vector<1x32x256xf32>
    %swap3A_46 = vector.shape_cast %swap3A_45 : vector<1x32x256xf32> to vector<32x256xf32>
    %swap3A_47 = vector.shape_cast %reduce_max3A_42 : vector<32x256xf32> to vector<1x32x256xf32>
    tpu.vector_store %arg9[%swap3A, %swap3A_43, %swap3A_44], %swap3A_47 {strides = array<i32>} : memref<1x32x256xf32, #tpu.memory_space<vmem>>, vector<1x32x256xf32>,
    return
  }
  func.func @transform_0(%arg0: i32, %arg1: i32) -> (i32, i32, i32, i32) {
    %c0_i32 = arith.constant 0 : i32
    %c0_i32_0 = arith.constant 0 : i32
    %c0_i32_1 = arith.constant 0 : i32
    return %arg0, %arg1, %c0_i32, %c0_i32_0 : i32, i32, i32, i32
  }
  func.func @transform_1(%arg0: i32, %arg1: i32) -> (i32, i32) {
    %c0_i32 = arith.constant 0 : i32
    %c0_i32_0 = arith.constant 0 : i32
    %c0_i32_1 = arith.constant 0 : i32
    return %c0_i32, %c0_i32_0 : i32, i32
  }
  func.func @transform_2(%arg0: i32, %arg1: i32) -> (i32, i32) {
    %c0_i32 = arith.constant 0 : i32
    %c0_i32_0 = arith.constant 0 : i32
    %c0_i32_1 = arith.constant 0 : i32
    return %c0_i32, %c0_i32_0 : i32, i32
  }
  func.func @transform_3(%arg0: i32, %arg1: i32) -> (i32, i32) {
    %c0_i32 = arith.constant 0 : i32
    %c0_i32_0 = arith.constant 0 : i32
    %c0_i32_1 = arith.constant 0 : i32
    return %c0_i32, %c0_i32_0 : i32, i32
  }
  func.func @transform_4(%arg0: i32, %arg1: i32) -> (i32, i32) {
    %c0_i32 = arith.constant 0 : i32
    %c0_i32_0 = arith.constant 0 : i32
    %c0_i32_1 = arith.constant 0 : i32
    return %c0_i32, %c0_i32_0 : i32, i32
  }
  func.func @transform_5(%arg0: i32, %arg1: i32) -> (i32, i32) {
    %c0_i32 = arith.constant 0 : i32
    %c0_i32_0 = arith.constant 0 : i32
    %c0_i32_1 = arith.constant 0 : i32
    return %c0_i32, %c0_i32_0 : i32, i32
  }
  func.func @transform_6(%arg0: i32, %arg1: i32) -> (i32, i32) {
    %c0_i32 = arith.constant 0 : i32
    %c0_i32_0 = arith.constant 0 : i32
    %c0_i32_1 = arith.constant 0 : i32
    return %c0_i32, %c0_i32_0 : i32, i32
  }
  func.func @transform_7(%arg0: i32, %arg1: i32) -> (i32, i32, i32) {
    %c0_i32 = arith.constant 0 : i32
    %c0_i32_0 = arith.constant 0 : i32
    return %arg0, %arg1, %c0_i32 : i32, i32, i32
  }
}

module attributes {stable_mosaic.version = 14 : i64} {
  func.func @kern(%arg0: i32, %arg1: i32, %arg2: memref<1x1x128x259xf32, #tpu.memory_space<vmem>>, %arg3: memref<259x256xf32, #tpu.memory_space<vmem>>, %arg4: memref<1x256xf32, #tpu.memory_space<vmem>>, %arg5: memref<256x512xf32, #tpu.memory_space<vmem>>, %arg6: memref<1x512xf32, #tpu.memory_space<vmem>>, %arg7: memref<512x1024xf32, #tpu.memory_space<vmem>>, %arg8: memref<1x1024xf32, #tpu.memory_space<vmem>>, %arg9: memref<1x1x1024xf32, #tpu.memory_space<vmem>>) attributes {dimension_semantics = [#tpu.dimension_semantics<arbitrary>, #tpu.dimension_semantics<arbitrary>], iteration_bounds = array<i64: 16, 1>, scalar_prefetch = 0 : i64, scratch_operands = 0 : i64, tpu.core_type = #tpu.core_type<tc>, window_params = [{transform_indices = @transform_0, window_bounds = array<i64: 1, 1, 128, 259>}, {pipeline_mode = #tpu.pipeline_mode<synchronous>, transform_indices = @transform_1, window_bounds = array<i64: 259, 256>}, {pipeline_mode = #tpu.pipeline_mode<synchronous>, transform_indices = @transform_2, window_bounds = array<i64: 1, 256>}, {pipeline_mode = #tpu.pipeline_mode<synchronous>, transform_indices = @transform_3, window_bounds = array<i64: 256, 512>}, {pipeline_mode = #tpu.pipeline_mode<synchronous>, transform_indices = @transform_4, window_bounds = array<i64: 1, 512>}, {pipeline_mode = #tpu.pipeline_mode<synchronous>, transform_indices = @transform_5, window_bounds = array<i64: 512, 1024>}, {pipeline_mode = #tpu.pipeline_mode<synchronous>, transform_indices = @transform_6, window_bounds = array<i64: 1, 1024>}, {transform_indices = @transform_7, window_bounds = array<i64: 1, 1, 1024>}]} {
    %get3A = arith.constant 0 : index
    %get3A_0 = arith.constant 0 : index
    %get3A_1 = arith.constant 0 : index
    %get3A_2 = arith.constant 0 : index
    %get3A_3 = vector.load %arg2[%get3A, %get3A_0, %get3A_1, %get3A_2] : memref<1x1x128x259xf32, #tpu.memory_space<vmem>>, vector<1x1x128x259xf32>
    %get3A_4 = vector.shape_cast %get3A_3 : vector<1x1x128x259xf32> to vector<1x128x259xf32>
    %reshape3A = vector.shape_cast %get3A_4 : vector<1x128x259xf32> to vector<128x259xf32>
    %get3A_5 = arith.constant 0 : index
    %get3A_6 = arith.constant 0 : index
    %get3A_7 = vector.load %arg3[%get3A_5, %get3A_6] : memref<259x256xf32, #tpu.memory_space<vmem>>, vector<259x256xf32>
    %get3A_8 = arith.constant 0 : index
    %get3A_9 = arith.constant 0 : index
    %get3A_10 = vector.load %arg4[%get3A_8, %get3A_9] : memref<1x256xf32, #tpu.memory_space<vmem>>, vector<1x256xf32>
    %dot_general3A = arith.constant dense<0.000000e+00> : vector<128x256xf32>
    %dot_general3A_11 = tpu.matmul %reshape3A, %get3A_7, %dot_general3A {dimension_numbers = #tpu.dot_dimension_numbers<[1], [0], [0], [1], [0, 0, 1, 1], [], []>, transpose_lhs_hint = false} : vector<128x259xf32>, vector<259x256xf32>, vector<128x256xf32> -> vector<128x256xf32>
    %add3A = vector.broadcast %get3A_10 : vector<1x256xf32> to vector<128x256xf32>
    %add3A_12 = arith.addf %dot_general3A_11, %add3A : vector<128x256xf32>
    %max3A = arith.constant 0.000000e+00 : f32
    %max3A_13 = vector.broadcast %max3A : f32 to vector<128x256xf32>
    %max3A_14 = arith.maximumf %add3A_12, %max3A_13 : vector<128x256xf32>
    %get3A_15 = arith.constant 0 : index
    %get3A_16 = arith.constant 0 : index
    %get3A_17 = vector.load %arg5[%get3A_15, %get3A_16] : memref<256x512xf32, #tpu.memory_space<vmem>>, vector<256x512xf32>
    %get3A_18 = arith.constant 0 : index
    %get3A_19 = arith.constant 0 : index
    %get3A_20 = vector.load %arg6[%get3A_18, %get3A_19] : memref<1x512xf32, #tpu.memory_space<vmem>>, vector<1x512xf32>
    %dot_general3A_21 = arith.constant dense<0.000000e+00> : vector<128x512xf32>
    %dot_general3A_22 = tpu.matmul %max3A_14, %get3A_17, %dot_general3A_21 {dimension_numbers = #tpu.dot_dimension_numbers<[1], [0], [0], [1], [0, 0, 1, 1], [], []>, transpose_lhs_hint = false} : vector<128x256xf32>, vector<256x512xf32>, vector<128x512xf32> -> vector<128x512xf32>
    %add3A_23 = vector.broadcast %get3A_20 : vector<1x512xf32> to vector<128x512xf32>
    %add3A_24 = arith.addf %dot_general3A_22, %add3A_23 : vector<128x512xf32>
    %max3A_25 = arith.constant 0.000000e+00 : f32
    %max3A_26 = vector.broadcast %max3A_25 : f32 to vector<128x512xf32>
    %max3A_27 = arith.maximumf %add3A_24, %max3A_26 : vector<128x512xf32>
    %get3A_28 = arith.constant 0 : index
    %get3A_29 = arith.constant 0 : index
    %get3A_30 = vector.load %arg7[%get3A_28, %get3A_29] : memref<512x1024xf32, #tpu.memory_space<vmem>>, vector<512x1024xf32>
    %get3A_31 = arith.constant 0 : index
    %get3A_32 = arith.constant 0 : index
    %get3A_33 = vector.load %arg8[%get3A_31, %get3A_32] : memref<1x1024xf32, #tpu.memory_space<vmem>>, vector<1x1024xf32>
    %dot_general3A_34 = arith.constant dense<0.000000e+00> : vector<128x1024xf32>
    %dot_general3A_35 = tpu.matmul %max3A_27, %get3A_30, %dot_general3A_34 {dimension_numbers = #tpu.dot_dimension_numbers<[1], [0], [0], [1], [0, 0, 1, 1], [], []>, transpose_lhs_hint = false} : vector<128x512xf32>, vector<512x1024xf32>, vector<128x1024xf32> -> vector<128x1024xf32>
    %add3A_36 = vector.broadcast %get3A_33 : vector<1x1024xf32> to vector<128x1024xf32>
    %add3A_37 = arith.addf %dot_general3A_35, %add3A_36 : vector<128x1024xf32>
    %max3A_38 = arith.constant 0.000000e+00 : f32
    %max3A_39 = vector.broadcast %max3A_38 : f32 to vector<128x1024xf32>
    %max3A_40 = arith.maximumf %add3A_37, %max3A_39 : vector<128x1024xf32>
    %reshape3A_41 = vector.shape_cast %max3A_40 : vector<128x1024xf32> to vector<1x128x1024xf32>
    %reduce_max3A = arith.constant dense<0xFF800000> : vector<1x1024xf32>
    %reduce_max3A_42 = vector.multi_reduction <maximumf>, %reshape3A_41, %reduce_max3A [1] : vector<1x128x1024xf32> to vector<1x1024xf32>
    %swap3A = arith.constant 0 : index
    %swap3A_43 = arith.constant 0 : index
    %swap3A_44 = arith.constant 0 : index
    %swap3A_45 = vector.load %arg9[%swap3A, %swap3A_43, %swap3A_44] : memref<1x1x1024xf32, #tpu.memory_space<vmem>>, vector<1x1x1024xf32>
    %swap3A_46 = vector.shape_cast %swap3A_45 : vector<1x1x1024xf32> to vector<1x1024xf32>
    %swap3A_47 = vector.shape_cast %reduce_max3A_42 : vector<1x1024xf32> to vector<1x1x1024xf32>
    tpu.vector_store %arg9[%swap3A, %swap3A_43, %swap3A_44], %swap3A_47 {strides = array<i32>} : memref<1x1x1024xf32, #tpu.memory_space<vmem>>, vector<1x1x1024xf32>,
    return
  }
  func.func @transform_0(%arg0: i32, %arg1: i32) -> (i32, i32, i32, i32) {
    %c0_i32 = arith.constant 0 : i32
    %c0_i32_0 = arith.constant 0 : i32
    %c0_i32_1 = arith.constant 0 : i32
    return %arg0, %arg1, %c0_i32, %c0_i32_0 : i32, i32, i32, i32
  }
  func.func @transform_1(%arg0: i32, %arg1: i32) -> (i32, i32) {
    %c0_i32 = arith.constant 0 : i32
    %c0_i32_0 = arith.constant 0 : i32
    %c0_i32_1 = arith.constant 0 : i32
    return %c0_i32, %c0_i32_0 : i32, i32
  }
  func.func @transform_2(%arg0: i32, %arg1: i32) -> (i32, i32) {
    %c0_i32 = arith.constant 0 : i32
    %c0_i32_0 = arith.constant 0 : i32
    %c0_i32_1 = arith.constant 0 : i32
    return %c0_i32, %c0_i32_0 : i32, i32
  }
  func.func @transform_3(%arg0: i32, %arg1: i32) -> (i32, i32) {
    %c0_i32 = arith.constant 0 : i32
    %c0_i32_0 = arith.constant 0 : i32
    %c0_i32_1 = arith.constant 0 : i32
    return %c0_i32, %c0_i32_0 : i32, i32
  }
  func.func @transform_4(%arg0: i32, %arg1: i32) -> (i32, i32) {
    %c0_i32 = arith.constant 0 : i32
    %c0_i32_0 = arith.constant 0 : i32
    %c0_i32_1 = arith.constant 0 : i32
    return %c0_i32, %c0_i32_0 : i32, i32
  }
  func.func @transform_5(%arg0: i32, %arg1: i32) -> (i32, i32) {
    %c0_i32 = arith.constant 0 : i32
    %c0_i32_0 = arith.constant 0 : i32
    %c0_i32_1 = arith.constant 0 : i32
    return %c0_i32, %c0_i32_0 : i32, i32
  }
  func.func @transform_6(%arg0: i32, %arg1: i32) -> (i32, i32) {
    %c0_i32 = arith.constant 0 : i32
    %c0_i32_0 = arith.constant 0 : i32
    %c0_i32_1 = arith.constant 0 : i32
    return %c0_i32, %c0_i32_0 : i32, i32
  }
  func.func @transform_7(%arg0: i32, %arg1: i32) -> (i32, i32, i32) {
    %c0_i32 = arith.constant 0 : i32
    %c0_i32_0 = arith.constant 0 : i32
    return %arg0, %arg1, %c0_i32 : i32, i32, i32
  }
}

module attributes {stable_mosaic.version = 14 : i64} {
  func.func @kern(%arg0: i32, %arg1: i32, %arg2: memref<1x128x1280xf32, #tpu.memory_space<vmem>>, %arg3: memref<1280x256xf32, #tpu.memory_space<vmem>>, %arg4: memref<1x256xf32, #tpu.memory_space<vmem>>, %arg5: memref<256x256xf32, #tpu.memory_space<vmem>>, %arg6: memref<1x256xf32, #tpu.memory_space<vmem>>, %arg7: memref<1x128x256xf32, #tpu.memory_space<vmem>>) attributes {dimension_semantics = [#tpu.dimension_semantics<arbitrary>, #tpu.dimension_semantics<arbitrary>], iteration_bounds = array<i64: 16, 1>, scalar_prefetch = 0 : i64, scratch_operands = 0 : i64, tpu.core_type = #tpu.core_type<tc>, window_params = [{transform_indices = @transform_0, window_bounds = array<i64: 1, 128, 1280>}, {pipeline_mode = #tpu.pipeline_mode<synchronous>, transform_indices = @transform_1, window_bounds = array<i64: 1280, 256>}, {pipeline_mode = #tpu.pipeline_mode<synchronous>, transform_indices = @transform_2, window_bounds = array<i64: 1, 256>}, {pipeline_mode = #tpu.pipeline_mode<synchronous>, transform_indices = @transform_3, window_bounds = array<i64: 256, 256>}, {pipeline_mode = #tpu.pipeline_mode<synchronous>, transform_indices = @transform_4, window_bounds = array<i64: 1, 256>}, {transform_indices = @transform_5, window_bounds = array<i64: 1, 128, 256>}]} {
    %get3A = arith.constant 0 : index
    %get3A_0 = arith.constant 0 : index
    %get3A_1 = arith.constant 0 : index
    %get3A_2 = vector.load %arg2[%get3A, %get3A_0, %get3A_1] : memref<1x128x1280xf32, #tpu.memory_space<vmem>>, vector<1x128x1280xf32>
    %get3A_3 = vector.shape_cast %get3A_2 : vector<1x128x1280xf32> to vector<128x1280xf32>
    %get3A_4 = arith.constant 0 : index
    %get3A_5 = arith.constant 0 : index
    %get3A_6 = vector.load %arg3[%get3A_4, %get3A_5] : memref<1280x256xf32, #tpu.memory_space<vmem>>, vector<1280x256xf32>
    %get3A_7 = arith.constant 0 : index
    %get3A_8 = arith.constant 0 : index
    %get3A_9 = vector.load %arg4[%get3A_7, %get3A_8] : memref<1x256xf32, #tpu.memory_space<vmem>>, vector<1x256xf32>
    %dot_general3A = arith.constant dense<0.000000e+00> : vector<128x256xf32>
    %dot_general3A_10 = tpu.matmul %get3A_3, %get3A_6, %dot_general3A {dimension_numbers = #tpu.dot_dimension_numbers<[1], [0], [0], [1], [0, 0, 1, 1], [], []>, transpose_lhs_hint = false} : vector<128x1280xf32>, vector<1280x256xf32>, vector<128x256xf32> -> vector<128x256xf32>
    %add3A = vector.broadcast %get3A_9 : vector<1x256xf32> to vector<128x256xf32>
    %add3A_11 = arith.addf %dot_general3A_10, %add3A : vector<128x256xf32>
    %max3A = arith.constant 0.000000e+00 : f32
    %max3A_12 = vector.broadcast %max3A : f32 to vector<128x256xf32>
    %max3A_13 = arith.maximumf %add3A_11, %max3A_12 : vector<128x256xf32>
    %get3A_14 = arith.constant 0 : index
    %get3A_15 = arith.constant 0 : index
    %get3A_16 = vector.load %arg5[%get3A_14, %get3A_15] : memref<256x256xf32, #tpu.memory_space<vmem>>, vector<256x256xf32>
    %get3A_17 = arith.constant 0 : index
    %get3A_18 = arith.constant 0 : index
    %get3A_19 = vector.load %arg6[%get3A_17, %get3A_18] : memref<1x256xf32, #tpu.memory_space<vmem>>, vector<1x256xf32>
    %dot_general3A_20 = arith.constant dense<0.000000e+00> : vector<128x256xf32>
    %dot_general3A_21 = tpu.matmul %max3A_13, %get3A_16, %dot_general3A_20 {dimension_numbers = #tpu.dot_dimension_numbers<[1], [0], [0], [1], [0, 0, 1, 1], [], []>, transpose_lhs_hint = false} : vector<128x256xf32>, vector<256x256xf32>, vector<128x256xf32> -> vector<128x256xf32>
    %add3A_22 = vector.broadcast %get3A_19 : vector<1x256xf32> to vector<128x256xf32>
    %add3A_23 = arith.addf %dot_general3A_21, %add3A_22 : vector<128x256xf32>
    %max3A_24 = arith.constant 0.000000e+00 : f32
    %max3A_25 = vector.broadcast %max3A_24 : f32 to vector<128x256xf32>
    %max3A_26 = arith.maximumf %add3A_23, %max3A_25 : vector<128x256xf32>
    %swap3A = arith.constant 0 : index
    %swap3A_27 = arith.constant 0 : index
    %swap3A_28 = arith.constant 0 : index
    %swap3A_29 = vector.load %arg7[%swap3A, %swap3A_27, %swap3A_28] : memref<1x128x256xf32, #tpu.memory_space<vmem>>, vector<1x128x256xf32>
    %swap3A_30 = vector.shape_cast %swap3A_29 : vector<1x128x256xf32> to vector<128x256xf32>
    %swap3A_31 = vector.shape_cast %max3A_26 : vector<128x256xf32> to vector<1x128x256xf32>
    tpu.vector_store %arg7[%swap3A, %swap3A_27, %swap3A_28], %swap3A_31 {strides = array<i32>} : memref<1x128x256xf32, #tpu.memory_space<vmem>>, vector<1x128x256xf32>,
    return
  }
  func.func @transform_0(%arg0: i32, %arg1: i32) -> (i32, i32, i32) {
    %c0_i32 = arith.constant 0 : i32
    %c0_i32_0 = arith.constant 0 : i32
    return %arg0, %arg1, %c0_i32 : i32, i32, i32
  }
  func.func @transform_1(%arg0: i32, %arg1: i32) -> (i32, i32) {
    %c0_i32 = arith.constant 0 : i32
    %c0_i32_0 = arith.constant 0 : i32
    %c0_i32_1 = arith.constant 0 : i32
    return %c0_i32, %c0_i32_0 : i32, i32
  }
  func.func @transform_2(%arg0: i32, %arg1: i32) -> (i32, i32) {
    %c0_i32 = arith.constant 0 : i32
    %c0_i32_0 = arith.constant 0 : i32
    %c0_i32_1 = arith.constant 0 : i32
    return %c0_i32, %c0_i32_0 : i32, i32
  }
  func.func @transform_3(%arg0: i32, %arg1: i32) -> (i32, i32) {
    %c0_i32 = arith.constant 0 : i32
    %c0_i32_0 = arith.constant 0 : i32
    %c0_i32_1 = arith.constant 0 : i32
    return %c0_i32, %c0_i32_0 : i32, i32
  }
  func.func @transform_4(%arg0: i32, %arg1: i32) -> (i32, i32) {
    %c0_i32 = arith.constant 0 : i32
    %c0_i32_0 = arith.constant 0 : i32
    %c0_i32_1 = arith.constant 0 : i32
    return %c0_i32, %c0_i32_0 : i32, i32
  }
  func.func @transform_5(%arg0: i32, %arg1: i32) -> (i32, i32, i32) {
    %c0_i32 = arith.constant 0 : i32
    %c0_i32_0 = arith.constant 0 : i32
    return %arg0, %arg1, %c0_i32 : i32, i32, i32
  }
}

module attributes {stable_mosaic.version = 14 : i64} {
  func.func @kern(%arg0: i32, %arg1: i32, %arg2: memref<1x512x384xf32, #tpu.memory_space<vmem>>, %arg3: memref<384x256xf32, #tpu.memory_space<vmem>>, %arg4: memref<1x256xf32, #tpu.memory_space<vmem>>, %arg5: memref<256x128xf32, #tpu.memory_space<vmem>>, %arg6: memref<1x128xf32, #tpu.memory_space<vmem>>, %arg7: memref<1x512x128xf32, #tpu.memory_space<vmem>>) attributes {dimension_semantics = [#tpu.dimension_semantics<arbitrary>, #tpu.dimension_semantics<arbitrary>], iteration_bounds = array<i64: 16, 1>, scalar_prefetch = 0 : i64, scratch_operands = 0 : i64, tpu.core_type = #tpu.core_type<tc>, window_params = [{transform_indices = @transform_0, window_bounds = array<i64: 1, 512, 384>}, {pipeline_mode = #tpu.pipeline_mode<synchronous>, transform_indices = @transform_1, window_bounds = array<i64: 384, 256>}, {pipeline_mode = #tpu.pipeline_mode<synchronous>, transform_indices = @transform_2, window_bounds = array<i64: 1, 256>}, {pipeline_mode = #tpu.pipeline_mode<synchronous>, transform_indices = @transform_3, window_bounds = array<i64: 256, 128>}, {pipeline_mode = #tpu.pipeline_mode<synchronous>, transform_indices = @transform_4, window_bounds = array<i64: 1, 128>}, {transform_indices = @transform_5, window_bounds = array<i64: 1, 512, 128>}]} {
    %get3A = arith.constant 0 : index
    %get3A_0 = arith.constant 0 : index
    %get3A_1 = arith.constant 0 : index
    %get3A_2 = vector.load %arg2[%get3A, %get3A_0, %get3A_1] : memref<1x512x384xf32, #tpu.memory_space<vmem>>, vector<1x512x384xf32>
    %get3A_3 = vector.shape_cast %get3A_2 : vector<1x512x384xf32> to vector<512x384xf32>
    %get3A_4 = arith.constant 0 : index
    %get3A_5 = arith.constant 0 : index
    %get3A_6 = vector.load %arg3[%get3A_4, %get3A_5] : memref<384x256xf32, #tpu.memory_space<vmem>>, vector<384x256xf32>
    %get3A_7 = arith.constant 0 : index
    %get3A_8 = arith.constant 0 : index
    %get3A_9 = vector.load %arg4[%get3A_7, %get3A_8] : memref<1x256xf32, #tpu.memory_space<vmem>>, vector<1x256xf32>
    %dot_general3A = arith.constant dense<0.000000e+00> : vector<512x256xf32>
    %dot_general3A_10 = tpu.matmul %get3A_3, %get3A_6, %dot_general3A {dimension_numbers = #tpu.dot_dimension_numbers<[1], [0], [0], [1], [0, 0, 1, 1], [], []>, transpose_lhs_hint = false} : vector<512x384xf32>, vector<384x256xf32>, vector<512x256xf32> -> vector<512x256xf32>
    %add3A = vector.broadcast %get3A_9 : vector<1x256xf32> to vector<512x256xf32>
    %add3A_11 = arith.addf %dot_general3A_10, %add3A : vector<512x256xf32>
    %max3A = arith.constant 0.000000e+00 : f32
    %max3A_12 = vector.broadcast %max3A : f32 to vector<512x256xf32>
    %max3A_13 = arith.maximumf %add3A_11, %max3A_12 : vector<512x256xf32>
    %get3A_14 = arith.constant 0 : index
    %get3A_15 = arith.constant 0 : index
    %get3A_16 = vector.load %arg5[%get3A_14, %get3A_15] : memref<256x128xf32, #tpu.memory_space<vmem>>, vector<256x128xf32>
    %get3A_17 = arith.constant 0 : index
    %get3A_18 = arith.constant 0 : index
    %get3A_19 = vector.load %arg6[%get3A_17, %get3A_18] : memref<1x128xf32, #tpu.memory_space<vmem>>, vector<1x128xf32>
    %dot_general3A_20 = arith.constant dense<0.000000e+00> : vector<512x128xf32>
    %dot_general3A_21 = tpu.matmul %max3A_13, %get3A_16, %dot_general3A_20 {dimension_numbers = #tpu.dot_dimension_numbers<[1], [0], [0], [1], [0, 0, 1, 1], [], []>, transpose_lhs_hint = false} : vector<512x256xf32>, vector<256x128xf32>, vector<512x128xf32> -> vector<512x128xf32>
    %add3A_22 = vector.broadcast %get3A_19 : vector<1x128xf32> to vector<512x128xf32>
    %add3A_23 = arith.addf %dot_general3A_21, %add3A_22 : vector<512x128xf32>
    %max3A_24 = arith.constant 0.000000e+00 : f32
    %max3A_25 = vector.broadcast %max3A_24 : f32 to vector<512x128xf32>
    %max3A_26 = arith.maximumf %add3A_23, %max3A_25 : vector<512x128xf32>
    %swap3A = arith.constant 0 : index
    %swap3A_27 = arith.constant 0 : index
    %swap3A_28 = arith.constant 0 : index
    %swap3A_29 = vector.load %arg7[%swap3A, %swap3A_27, %swap3A_28] : memref<1x512x128xf32, #tpu.memory_space<vmem>>, vector<1x512x128xf32>
    %swap3A_30 = vector.shape_cast %swap3A_29 : vector<1x512x128xf32> to vector<512x128xf32>
    %swap3A_31 = vector.shape_cast %max3A_26 : vector<512x128xf32> to vector<1x512x128xf32>
    tpu.vector_store %arg7[%swap3A, %swap3A_27, %swap3A_28], %swap3A_31 {strides = array<i32>} : memref<1x512x128xf32, #tpu.memory_space<vmem>>, vector<1x512x128xf32>,
    return
  }
  func.func @transform_0(%arg0: i32, %arg1: i32) -> (i32, i32, i32) {
    %c0_i32 = arith.constant 0 : i32
    %c0_i32_0 = arith.constant 0 : i32
    return %arg0, %arg1, %c0_i32 : i32, i32, i32
  }
  func.func @transform_1(%arg0: i32, %arg1: i32) -> (i32, i32) {
    %c0_i32 = arith.constant 0 : i32
    %c0_i32_0 = arith.constant 0 : i32
    %c0_i32_1 = arith.constant 0 : i32
    return %c0_i32, %c0_i32_0 : i32, i32
  }
  func.func @transform_2(%arg0: i32, %arg1: i32) -> (i32, i32) {
    %c0_i32 = arith.constant 0 : i32
    %c0_i32_0 = arith.constant 0 : i32
    %c0_i32_1 = arith.constant 0 : i32
    return %c0_i32, %c0_i32_0 : i32, i32
  }
  func.func @transform_3(%arg0: i32, %arg1: i32) -> (i32, i32) {
    %c0_i32 = arith.constant 0 : i32
    %c0_i32_0 = arith.constant 0 : i32
    %c0_i32_1 = arith.constant 0 : i32
    return %c0_i32, %c0_i32_0 : i32, i32
  }
  func.func @transform_4(%arg0: i32, %arg1: i32) -> (i32, i32) {
    %c0_i32 = arith.constant 0 : i32
    %c0_i32_0 = arith.constant 0 : i32
    %c0_i32_1 = arith.constant 0 : i32
    return %c0_i32, %c0_i32_0 : i32, i32
  }
  func.func @transform_5(%arg0: i32, %arg1: i32) -> (i32, i32, i32) {
    %c0_i32 = arith.constant 0 : i32
    %c0_i32_0 = arith.constant 0 : i32
    return %arg0, %arg1, %c0_i32 : i32, i32, i32
  }
}

module attributes {stable_mosaic.version = 14 : i64} {
  func.func @kern(%arg0: i32, %arg1: i32, %arg2: memref<1x512x150xf32, #tpu.memory_space<vmem>>, %arg3: memref<150x128xf32, #tpu.memory_space<vmem>>, %arg4: memref<1x128xf32, #tpu.memory_space<vmem>>, %arg5: memref<128x128xf32, #tpu.memory_space<vmem>>, %arg6: memref<1x128xf32, #tpu.memory_space<vmem>>, %arg7: memref<128x128xf32, #tpu.memory_space<vmem>>, %arg8: memref<1x128xf32, #tpu.memory_space<vmem>>, %arg9: memref<1x512x128xf32, #tpu.memory_space<vmem>>) attributes {dimension_semantics = [#tpu.dimension_semantics<arbitrary>, #tpu.dimension_semantics<arbitrary>], iteration_bounds = array<i64: 16, 4>, scalar_prefetch = 0 : i64, scratch_operands = 0 : i64, tpu.core_type = #tpu.core_type<tc>, window_params = [{transform_indices = @transform_0, window_bounds = array<i64: 1, 512, 150>}, {pipeline_mode = #tpu.pipeline_mode<synchronous>, transform_indices = @transform_1, window_bounds = array<i64: 150, 128>}, {pipeline_mode = #tpu.pipeline_mode<synchronous>, transform_indices = @transform_2, window_bounds = array<i64: 1, 128>}, {pipeline_mode = #tpu.pipeline_mode<synchronous>, transform_indices = @transform_3, window_bounds = array<i64: 128, 128>}, {pipeline_mode = #tpu.pipeline_mode<synchronous>, transform_indices = @transform_4, window_bounds = array<i64: 1, 128>}, {pipeline_mode = #tpu.pipeline_mode<synchronous>, transform_indices = @transform_5, window_bounds = array<i64: 128, 128>}, {pipeline_mode = #tpu.pipeline_mode<synchronous>, transform_indices = @transform_6, window_bounds = array<i64: 1, 128>}, {transform_indices = @transform_7, window_bounds = array<i64: 1, 512, 128>}]} {
    %get3A = arith.constant 0 : index
    %get3A_0 = arith.constant 0 : index
    %get3A_1 = arith.constant 0 : index
    %get3A_2 = vector.load %arg2[%get3A, %get3A_0, %get3A_1] : memref<1x512x150xf32, #tpu.memory_space<vmem>>, vector<1x512x150xf32>
    %get3A_3 = vector.shape_cast %get3A_2 : vector<1x512x150xf32> to vector<512x150xf32>
    %get3A_4 = arith.constant 0 : index
    %get3A_5 = arith.constant 0 : index
    %get3A_6 = vector.load %arg3[%get3A_4, %get3A_5] : memref<150x128xf32, #tpu.memory_space<vmem>>, vector<150x128xf32>
    %get3A_7 = arith.constant 0 : index
    %get3A_8 = arith.constant 0 : index
    %get3A_9 = vector.load %arg4[%get3A_7, %get3A_8] : memref<1x128xf32, #tpu.memory_space<vmem>>, vector<1x128xf32>
    %dot_general3A = arith.constant dense<0.000000e+00> : vector<512x128xf32>
    %dot_general3A_10 = tpu.matmul %get3A_3, %get3A_6, %dot_general3A {dimension_numbers = #tpu.dot_dimension_numbers<[1], [0], [0], [1], [0, 0, 1, 1], [], []>, transpose_lhs_hint = false} : vector<512x150xf32>, vector<150x128xf32>, vector<512x128xf32> -> vector<512x128xf32>
    %add3A = vector.broadcast %get3A_9 : vector<1x128xf32> to vector<512x128xf32>
    %add3A_11 = arith.addf %dot_general3A_10, %add3A : vector<512x128xf32>
    %max3A = arith.constant 0.000000e+00 : f32
    %max3A_12 = vector.broadcast %max3A : f32 to vector<512x128xf32>
    %max3A_13 = arith.maximumf %add3A_11, %max3A_12 : vector<512x128xf32>
    %get3A_14 = arith.constant 0 : index
    %get3A_15 = arith.constant 0 : index
    %get3A_16 = vector.load %arg5[%get3A_14, %get3A_15] : memref<128x128xf32, #tpu.memory_space<vmem>>, vector<128x128xf32>
    %get3A_17 = arith.constant 0 : index
    %get3A_18 = arith.constant 0 : index
    %get3A_19 = vector.load %arg6[%get3A_17, %get3A_18] : memref<1x128xf32, #tpu.memory_space<vmem>>, vector<1x128xf32>
    %dot_general3A_20 = arith.constant dense<0.000000e+00> : vector<512x128xf32>
    %dot_general3A_21 = tpu.matmul %max3A_13, %get3A_16, %dot_general3A_20 {dimension_numbers = #tpu.dot_dimension_numbers<[1], [0], [0], [1], [0, 0, 1, 1], [], []>, transpose_lhs_hint = false} : vector<512x128xf32>, vector<128x128xf32>, vector<512x128xf32> -> vector<512x128xf32>
    %add3A_22 = vector.broadcast %get3A_19 : vector<1x128xf32> to vector<512x128xf32>
    %add3A_23 = arith.addf %dot_general3A_21, %add3A_22 : vector<512x128xf32>
    %max3A_24 = arith.constant 0.000000e+00 : f32
    %max3A_25 = vector.broadcast %max3A_24 : f32 to vector<512x128xf32>
    %max3A_26 = arith.maximumf %add3A_23, %max3A_25 : vector<512x128xf32>
    %get3A_27 = arith.constant 0 : index
    %get3A_28 = arith.constant 0 : index
    %get3A_29 = vector.load %arg7[%get3A_27, %get3A_28] : memref<128x128xf32, #tpu.memory_space<vmem>>, vector<128x128xf32>
    %get3A_30 = arith.constant 0 : index
    %get3A_31 = arith.constant 0 : index
    %get3A_32 = vector.load %arg8[%get3A_30, %get3A_31] : memref<1x128xf32, #tpu.memory_space<vmem>>, vector<1x128xf32>
    %dot_general3A_33 = arith.constant dense<0.000000e+00> : vector<512x128xf32>
    %dot_general3A_34 = tpu.matmul %max3A_26, %get3A_29, %dot_general3A_33 {dimension_numbers = #tpu.dot_dimension_numbers<[1], [0], [0], [1], [0, 0, 1, 1], [], []>, transpose_lhs_hint = false} : vector<512x128xf32>, vector<128x128xf32>, vector<512x128xf32> -> vector<512x128xf32>
    %add3A_35 = vector.broadcast %get3A_32 : vector<1x128xf32> to vector<512x128xf32>
    %add3A_36 = arith.addf %dot_general3A_34, %add3A_35 : vector<512x128xf32>
    %max3A_37 = arith.constant 0.000000e+00 : f32
    %max3A_38 = vector.broadcast %max3A_37 : f32 to vector<512x128xf32>
    %max3A_39 = arith.maximumf %add3A_36, %max3A_38 : vector<512x128xf32>
    %swap3A = arith.constant 0 : index
    %swap3A_40 = arith.constant 0 : index
    %swap3A_41 = arith.constant 0 : index
    %swap3A_42 = vector.load %arg9[%swap3A, %swap3A_40, %swap3A_41] : memref<1x512x128xf32, #tpu.memory_space<vmem>>, vector<1x512x128xf32>
    %swap3A_43 = vector.shape_cast %swap3A_42 : vector<1x512x128xf32> to vector<512x128xf32>
    %swap3A_44 = vector.shape_cast %max3A_39 : vector<512x128xf32> to vector<1x512x128xf32>
    tpu.vector_store %arg9[%swap3A, %swap3A_40, %swap3A_41], %swap3A_44 {strides = array<i32>} : memref<1x512x128xf32, #tpu.memory_space<vmem>>, vector<1x512x128xf32>,
    return
  }
  func.func @transform_0(%arg0: i32, %arg1: i32) -> (i32, i32, i32) {
    %c0_i32 = arith.constant 0 : i32
    %c0_i32_0 = arith.constant 0 : i32
    return %arg0, %arg1, %c0_i32 : i32, i32, i32
  }
  func.func @transform_1(%arg0: i32, %arg1: i32) -> (i32, i32) {
    %c0_i32 = arith.constant 0 : i32
    %c0_i32_0 = arith.constant 0 : i32
    %c0_i32_1 = arith.constant 0 : i32
    return %c0_i32, %c0_i32_0 : i32, i32
  }
  func.func @transform_2(%arg0: i32, %arg1: i32) -> (i32, i32) {
    %c0_i32 = arith.constant 0 : i32
    %c0_i32_0 = arith.constant 0 : i32
    %c0_i32_1 = arith.constant 0 : i32
    return %c0_i32, %c0_i32_0 : i32, i32
  }
  func.func @transform_3(%arg0: i32, %arg1: i32) -> (i32, i32) {
    %c0_i32 = arith.constant 0 : i32
    %c0_i32_0 = arith.constant 0 : i32
    %c0_i32_1 = arith.constant 0 : i32
    return %c0_i32, %c0_i32_0 : i32, i32
  }
  func.func @transform_4(%arg0: i32, %arg1: i32) -> (i32, i32) {
    %c0_i32 = arith.constant 0 : i32
    %c0_i32_0 = arith.constant 0 : i32
    %c0_i32_1 = arith.constant 0 : i32
    return %c0_i32, %c0_i32_0 : i32, i32
  }
  func.func @transform_5(%arg0: i32, %arg1: i32) -> (i32, i32) {
    %c0_i32 = arith.constant 0 : i32
    %c0_i32_0 = arith.constant 0 : i32
    %c0_i32_1 = arith.constant 0 : i32
    return %c0_i32, %c0_i32_0 : i32, i32
  }
  func.func @transform_6(%arg0: i32, %arg1: i32) -> (i32, i32) {
    %c0_i32 = arith.constant 0 : i32
    %c0_i32_0 = arith.constant 0 : i32
    %c0_i32_1 = arith.constant 0 : i32
    return %c0_i32, %c0_i32_0 : i32, i32
  }
  func.func @transform_7(%arg0: i32, %arg1: i32) -> (i32, i32, i32) {
    %c0_i32 = arith.constant 0 : i32
    %c0_i32_0 = arith.constant 0 : i32
    return %arg0, %arg1, %c0_i32 : i32, i32, i32
  }
}

module attributes {stable_mosaic.version = 14 : i64} {
  func.func @kern(%arg0: i32, %arg1: i32, %arg2: memref<1x512x128xf32, #tpu.memory_space<vmem>>, %arg3: memref<128x128xf32, #tpu.memory_space<vmem>>, %arg4: memref<1x128xf32, #tpu.memory_space<vmem>>, %arg5: memref<128x50xf32, #tpu.memory_space<vmem>>, %arg6: memref<1x50xf32, #tpu.memory_space<vmem>>, %arg7: memref<1x512x50xf32, #tpu.memory_space<vmem>>) attributes {dimension_semantics = [#tpu.dimension_semantics<arbitrary>, #tpu.dimension_semantics<arbitrary>], iteration_bounds = array<i64: 16, 4>, scalar_prefetch = 0 : i64, scratch_operands = 0 : i64, tpu.core_type = #tpu.core_type<tc>, window_params = [{transform_indices = @transform_0, window_bounds = array<i64: 1, 512, 128>}, {pipeline_mode = #tpu.pipeline_mode<synchronous>, transform_indices = @transform_1, window_bounds = array<i64: 128, 128>}, {pipeline_mode = #tpu.pipeline_mode<synchronous>, transform_indices = @transform_2, window_bounds = array<i64: 1, 128>}, {pipeline_mode = #tpu.pipeline_mode<synchronous>, transform_indices = @transform_3, window_bounds = array<i64: 128, 50>}, {pipeline_mode = #tpu.pipeline_mode<synchronous>, transform_indices = @transform_4, window_bounds = array<i64: 1, 50>}, {transform_indices = @transform_5, window_bounds = array<i64: 1, 512, 50>}]} {
    %get3A = arith.constant 0 : index
    %get3A_0 = arith.constant 0 : index
    %get3A_1 = arith.constant 0 : index
    %get3A_2 = vector.load %arg2[%get3A, %get3A_0, %get3A_1] : memref<1x512x128xf32, #tpu.memory_space<vmem>>, vector<1x512x128xf32>
    %get3A_3 = vector.shape_cast %get3A_2 : vector<1x512x128xf32> to vector<512x128xf32>
    %get3A_4 = arith.constant 0 : index
    %get3A_5 = arith.constant 0 : index
    %get3A_6 = vector.load %arg3[%get3A_4, %get3A_5] : memref<128x128xf32, #tpu.memory_space<vmem>>, vector<128x128xf32>
    %dot_general3A = arith.constant dense<0.000000e+00> : vector<512x128xf32>
    %dot_general3A_7 = tpu.matmul %get3A_3, %get3A_6, %dot_general3A {dimension_numbers = #tpu.dot_dimension_numbers<[1], [0], [0], [1], [0, 0, 1, 1], [], []>, transpose_lhs_hint = false} : vector<512x128xf32>, vector<128x128xf32>, vector<512x128xf32> -> vector<512x128xf32>
    %get3A_8 = arith.constant 0 : index
    %get3A_9 = arith.constant 0 : index
    %get3A_10 = vector.load %arg4[%get3A_8, %get3A_9] : memref<1x128xf32, #tpu.memory_space<vmem>>, vector<1x128xf32>
    %add3A = vector.broadcast %get3A_10 : vector<1x128xf32> to vector<512x128xf32>
    %add3A_11 = arith.addf %dot_general3A_7, %add3A : vector<512x128xf32>
    %max3A = arith.constant 0.000000e+00 : f32
    %max3A_12 = vector.broadcast %max3A : f32 to vector<512x128xf32>
    %max3A_13 = arith.maximumf %add3A_11, %max3A_12 : vector<512x128xf32>
    %get3A_14 = arith.constant 0 : index
    %get3A_15 = arith.constant 0 : index
    %get3A_16 = vector.load %arg5[%get3A_14, %get3A_15] : memref<128x50xf32, #tpu.memory_space<vmem>>, vector<128x50xf32>
    %dot_general3A_17 = arith.constant dense<0.000000e+00> : vector<512x50xf32>
    %dot_general3A_18 = tpu.matmul %max3A_13, %get3A_16, %dot_general3A_17 {dimension_numbers = #tpu.dot_dimension_numbers<[1], [0], [0], [1], [0, 0, 1, 1], [], []>, transpose_lhs_hint = false} : vector<512x128xf32>, vector<128x50xf32>, vector<512x50xf32> -> vector<512x50xf32>
    %get3A_19 = arith.constant 0 : index
    %get3A_20 = arith.constant 0 : index
    %get3A_21 = vector.load %arg6[%get3A_19, %get3A_20] : memref<1x50xf32, #tpu.memory_space<vmem>>, vector<1x50xf32>
    %add3A_22 = vector.broadcast %get3A_21 : vector<1x50xf32> to vector<512x50xf32>
    %add3A_23 = arith.addf %dot_general3A_18, %add3A_22 : vector<512x50xf32>
    %reduce_max3A = arith.constant dense<0xFF800000> : vector<512xf32>
    %reduce_max3A_24 = vector.multi_reduction <maximumf>, %add3A_23, %reduce_max3A [1] : vector<512x50xf32> to vector<512xf32>
    %broadcast_in_dim3A = vector.shape_cast %reduce_max3A_24 : vector<512xf32> to vector<512x1xf32>
    %sub3A = vector.broadcast %broadcast_in_dim3A : vector<512x1xf32> to vector<512x50xf32>
    %sub3A_25 = arith.subf %add3A_23, %sub3A : vector<512x50xf32>
    %exp3A = math.exp %sub3A_25 : vector<512x50xf32>
    %reduce_sum3A = arith.constant dense<0.000000e+00> : vector<512xf32>
    %reduce_sum3A_26 = vector.multi_reduction <add>, %exp3A, %reduce_sum3A [1] : vector<512x50xf32> to vector<512xf32>
    %broadcast_in_dim3A_27 = vector.shape_cast %reduce_sum3A_26 : vector<512xf32> to vector<512x1xf32>
    %log3A = math.log %broadcast_in_dim3A_27 : vector<512x1xf32>
    %sub3A_28 = vector.broadcast %log3A : vector<512x1xf32> to vector<512x50xf32>
    %sub3A_29 = arith.subf %sub3A_25, %sub3A_28 : vector<512x50xf32>
    %swap3A = arith.constant 0 : index
    %swap3A_30 = arith.constant 0 : index
    %swap3A_31 = arith.constant 0 : index
    %swap3A_32 = vector.load %arg7[%swap3A, %swap3A_30, %swap3A_31] : memref<1x512x50xf32, #tpu.memory_space<vmem>>, vector<1x512x50xf32>
    %swap3A_33 = vector.shape_cast %swap3A_32 : vector<1x512x50xf32> to vector<512x50xf32>
    %swap3A_34 = vector.shape_cast %sub3A_29 : vector<512x50xf32> to vector<1x512x50xf32>
    tpu.vector_store %arg7[%swap3A, %swap3A_30, %swap3A_31], %swap3A_34 {strides = array<i32>} : memref<1x512x50xf32, #tpu.memory_space<vmem>>, vector<1x512x50xf32>,
    return
  }
  func.func @transform_0(%arg0: i32, %arg1: i32) -> (i32, i32, i32) {
    %c0_i32 = arith.constant 0 : i32
    %c0_i32_0 = arith.constant 0 : i32
    return %arg0, %arg1, %c0_i32 : i32, i32, i32
  }
  func.func @transform_1(%arg0: i32, %arg1: i32) -> (i32, i32) {
    %c0_i32 = arith.constant 0 : i32
    %c0_i32_0 = arith.constant 0 : i32
    %c0_i32_1 = arith.constant 0 : i32
    return %c0_i32, %c0_i32_0 : i32, i32
  }
  func.func @transform_2(%arg0: i32, %arg1: i32) -> (i32, i32) {
    %c0_i32 = arith.constant 0 : i32
    %c0_i32_0 = arith.constant 0 : i32
    %c0_i32_1 = arith.constant 0 : i32
    return %c0_i32, %c0_i32_0 : i32, i32
  }
  func.func @transform_3(%arg0: i32, %arg1: i32) -> (i32, i32) {
    %c0_i32 = arith.constant 0 : i32
    %c0_i32_0 = arith.constant 0 : i32
    %c0_i32_1 = arith.constant 0 : i32
    return %c0_i32, %c0_i32_0 : i32, i32
  }
  func.func @transform_4(%arg0: i32, %arg1: i32) -> (i32, i32) {
    %c0_i32 = arith.constant 0 : i32
    %c0_i32_0 = arith.constant 0 : i32
    %c0_i32_1 = arith.constant 0 : i32
    return %c0_i32, %c0_i32_0 : i32, i32
  }
  func.func @transform_5(%arg0: i32, %arg1: i32) -> (i32, i32, i32) {
    %c0_i32 = arith.constant 0 : i32
    %c0_i32_0 = arith.constant 0 : i32
    return %arg0, %arg1, %c0_i32 : i32, i32, i32
  }
}

</mosaic_0001>

<sc_bundles>
// kernel: gather_offload_async_start.1
scs
__scs_entry_jumppad:
0x0: {  	(pc) =	sbr.rel $0x88, $3  }
0x1: {  	(tag) =	ssettag $0x0;
	lr =	simm.s32 $0x1  }
0x2: {  	[smem:$0x3F59] =	sst lr;
	_ =	strace $0xD0000000  }
0x3: {  	_ = 	snop  }
0x4: {  	_ = 	snop  }
0x5: {  	_ = 	snop  }
0x6: {  	_ = 	snop  }
0x7: {  	_ = 	snop  }
__scs_overlays_trampoline_lowered:
0x8: {  	[smem:$0x3F68] =	sst s0  }
0x9: {  	[smem:$0x3F69] =	sst s1  }
0xa: {  	[smem:$0x3F6A] =	sst s2  }
0xb: {  	[smem:$0x3F6B] =	sst s3  }
0xc: {  	[smem:$0x3F6C] =	sst s4  }
0xd: {  	[smem:$0x3F6D] =	sst s5  }
0xe: {  	[smem:$0x3F6E] =	sst s6  }
0xf: {  	[smem:$0x3F6F] =	sst s7  }
0x10: {  	[smem:$0x3F70] =	sst s8  }
0x11: {  	[smem:$0x3F71] =	sst s9;
	s0 =	simm.s32 @!p0 $0x0  }
0x12: {  	s1 =	sld [smem:$0x3F57];
	s0 =	simm.s32 @p0 $0x1  }
0x13: {  	[smem:$0x3F72] =	sst s0;
	s0 =	simm.s32 @!p1 $0x0  }
0x14: {  	s2 =	sld [smem:$0x3F56];
	s0 =	simm.s32 @p1 $0x1  }
0x15: {  	[smem:$0x3F73] =	sst s0;
	s0 =	simm.s32 @!p2 $0x0  }
0x16: {  	s3 =	sld [smem:$0x3FDB];
	s0 =	simm.s32 @p2 $0x1  }
0x17: {  	s4 =	simm.s32 $0x1BF5;
	[smem:$0x3F75] =	sst s0  }
0x18: {  	s0 =	sld [smem:$0x3F58];
	_ =	swait.ge [sflag:s4], $0x0  }
0x19: {  	s7 =	sld [smem:$0x3F59]  }
0x1a: {  	s8 =	sadd.s32 $0xFFFFE003, lr  }
0x1b: {  	s9 =	sadd.s32 $0xFFFFFEF7, lr;
	s5 =	simm.s32 $0xFFFFFFFF;
	p2 =	slt.u32 s8, $0xFFFFF086  }
0x1c: {  	p1 =	slt.u32 s9, $0xF7A;
	s5 =	simm.s32 @!p2 $0x0  }
0x1d: {  	s5 =	simm.s32 @p1 $0x1;
	p0 =	seq.s32 s7, s2  }
0x1e: {  	s7 =	smul.u32 @!p0 $0xF7A, s2;
	p2 =	seq.s32 @!p0 s5, $0x0  }
0x1f: {  	s9 =	smul.u32 $0xF7A, s1;
	s8 =	simm.s32 @!p0 $0x1BF5;
	p2 =	por !p2, p0  }
0x20: {  	[sflag:s8] =	ssyncset.s32 @!p0 $0xFFFFF086;
	s6 =	sadd.s32 @!p0 s3, s7;
	s7 =	simm.s32 @!p0 $0x108  }
0x21: {  	s3 =	sadd.s32 s3, s9;
	s6 =	sadd.s32 @!p0 $0x88, s6;
	s7 =	simm.s32 @p2 $0x1082  }
0x22: {  	[simem:s7], [sflag:s8] =	dma.local @!p0 [hbm:s6], $0xF7A  }
0x23: {  	s9 =	sor.u32 $0xD0000000, s2;
	s6 =	simm.s32 $0x108;
	_ =	swait.ge @!p0 [sflag:s8], $0x0  }
0x24: {  	s3 =	sadd.s32 $0x88, s3;
	s6 =	simm.s32 @!p1 $0x1082;
	[sflag:s4] =	ssyncset.s32 $0xFFFFF086  }
0x25: {  	[simem:s6], [sflag:s4] =	dma.local [hbm:s3], $0xF7A  }
0x26: {  	[smem:$0x3F59] =	sst s1;
	(tag) =	ssettag s2;
	_ =	strace s9  }
0x27: {  	s1 =	sld [smem:$0x3F69]  }
0x28: {  	s2 =	sld [smem:$0x3F6A]  }
0x29: {  	s4 =	sld [smem:$0x3F6C]  }
0x2a: {  	p0 =	seq.s32 s5, $0x0;
	s5 =	sld [smem:$0x3F6D]  }
0x2b: {  	s6 =	sld [smem:$0x3F6E]  }
0x2c: {  	s7 =	sld [smem:$0x3F6F]  }
0x2d: {  	s3 =	simm.s32 $0x108;
	s8 =	sld [smem:$0x3F70]  }
0x2e: {  	s3 =	simm.s32 @!p0 $0x1082;
	s9 =	sld [smem:$0x3F71]  }
0x2f: {  	lr =	sadd.s32 s0, s3;
	s0 =	sld [smem:$0x3F68]  }
0x30: {  	s3 =	sld [smem:$0x3F6B]  }
0x31: {  	[smem:$0x3F74] =	sst s10  }
0x32: {  	s10 =	sld [smem:$0x3F72];
	_ =	sdelay $0x3  }
0x33: {  	p0 =	seq.s32 s10, $0x1;
	s10 =	sld [smem:$0x3F74];
	_ =	sdelay $0x3  }
0x34: {  	[smem:$0x3F74] =	sst s10  }
0x35: {  	s10 =	sld [smem:$0x3F73];
	_ =	sdelay $0x3  }
0x36: {  	p1 =	seq.s32 s10, $0x1;
	s10 =	sld [smem:$0x3F74];
	_ =	sdelay $0x3  }
0x37: {  	[smem:$0x3F74] =	sst s10  }
0x38: {  	s10 =	sld [smem:$0x3F75]  }
0x39: {  	_ = 	snop;
	(pc) =	sbr.ind lr, $3  }
0x3a: {  	_ = 	snop  }
0x3b: {  	_ = 	snop  }
0x3c: {  	p2 =	seq.s32 s10, $0x1;
	s10 =	sld [smem:$0x3F74]  }
0x3d: {  	_ =	shalt  }
0x3e: {  	_ =	shalt  }
0x3f: {  	_ =	shalt  }
0x40: {  	_ =	shalt  }
0x41: {  	_ =	shalt  }
0x42: {  	_ =	shalt  }
0x43: {  	_ =	shalt  }
0x44: {  	_ =	shalt  }
0x45: {  	_ =	shalt  }
0x46: {  	_ =	shalt  }
0x47: {  	_ =	shalt  }
0x48: {  	_ =	shalt  }
0x49: {  	_ =	shalt  }
0x4a: {  	_ =	shalt  }
0x4b: {  	_ =	shalt  }
0x4c: {  	_ =	shalt  }
0x4d: {  	_ =	shalt  }
0x4e: {  	_ =	shalt  }
0x4f: {  	_ =	shalt  }
0x50: {  	_ =	shalt  }
0x51: {  	_ =	shalt  }
0x52: {  	_ =	shalt  }
0x53: {  	_ =	shalt  }
0x54: {  	_ =	shalt  }
0x55: {  	_ =	shalt  }
0x56: {  	_ =	shalt  }
0x57: {  	_ =	shalt  }
0x58: {  	_ =	shalt  }
0x59: {  	_ =	shalt  }
0x5a: {  	_ =	shalt  }
0x5b: {  	_ =	shalt  }
0x5c: {  	_ =	shalt  }
0x5d: {  	_ =	shalt  }
0x5e: {  	_ =	shalt  }
0x5f: {  	_ =	shalt  }
0x60: {  	_ =	shalt  }
0x61: {  	_ =	shalt  }
0x62: {  	_ =	shalt  }
0x63: {  	_ =	shalt  }
0x64: {  	_ =	shalt  }
0x65: {  	_ =	shalt  }
0x66: {  	_ =	shalt  }
0x67: {  	_ =	shalt  }
0x68: {  	_ =	shalt  }
0x69: {  	_ =	shalt  }
0x6a: {  	_ =	shalt  }
0x6b: {  	_ =	shalt  }
0x6c: {  	_ =	shalt  }
0x6d: {  	_ =	shalt  }
0x6e: {  	_ =	shalt  }
0x6f: {  	_ =	shalt  }
0x70: {  	_ =	shalt  }
0x71: {  	_ =	shalt  }
0x72: {  	_ =	shalt  }
0x73: {  	_ =	shalt  }
0x74: {  	_ =	shalt  }
0x75: {  	_ =	shalt  }
0x76: {  	_ =	shalt  }
0x77: {  	_ =	shalt  }
0x78: {  	_ =	shalt  }
0x79: {  	_ =	shalt  }
0x7a: {  	_ =	shalt  }
0x7b: {  	_ =	shalt  }
0x7c: {  	_ =	shalt  }
0x7d: {  	_ =	shalt  }
0x7e: {  	_ =	shalt  }
0x7f: {  	_ =	shalt  }
0x80: {  	_ =	shalt  }
0x81: {  	_ =	shalt  }
0x82: {  	_ =	shalt  }
0x83: {  	_ =	shalt  }
0x84: {  	_ =	shalt  }
0x85: {  	_ =	shalt  }
0x86: {  	_ =	shalt  }
0x87: {  	_ =	shalt  }
.Lfunc_end0:
.L_simem_size_0:
called_computation.1_lowered:
.L_overlay_start_0:
0x88: {  	s2 =	sld [smem:$0x3FD9]  }
0x89: {  	s3 =	sld [smem:$0x3FFE];
	_ =	sdelay $0x1  }
0x8a: {  	s1 =	srdreg.scid  }
0x8b: {  	s0 =	sand.u32 $0x1, s1  }
0x8c: {  	s16 =	sshll.u32 s0, $0xA;
	s2 =	sadd.s32 s3, s2  }
0x8d: {  	s2 =	sadd.s32 s2, s16  }
0x8e: {  	[smem:$0x3F80] =	sst s2  }
0x8f: {  	_ = 	snop  }
0x90: {  	(tm) =	ssettm $0x1  }
0x91: {  	s17 =	sld [smem:$0x3FFB];
	_ =	sdelay $0x3  }
0x92: {  	_ =	strace s17  }
0x93: {  	s2 =	sld [smem:$0x3FFC];
	_ =	sdelay $0x3  }
0x94: {  	_ =	strace s2  }
0x95: {  	s2 =	sld [smem:$0x3FFD];
	_ =	sdelay $0x3  }
0x96: {  	_ =	strace s2  }
0x97: {  	_ =	strace $0x8FFFFFFF  }
0x98: {  	s18 =	sld [smem:$0x3FDB];
	_ =	sdelay $0x1  }
0x99: {  	s19 =	simm.s32 $_scs_section_size  }
0x9a: {  	s4 =	simm.s32 $_size__tile_overlayer_lowered;
	s5 =	simm.s32 $_tile_overlayer_lowered  }
0x9b: {  	s22 =	simm.s32 $0x1BFF;
	s21 =	sshll.u32 s5, $0x1;
	s2 =	sadd.s32 s19, s18  }
0x9c: {  	s6 =	simm.s32 $0x0;
	s20 =	sshll.u32 s4, $0x1;
	s4 =	sadd.s32 s21, s2  }
0x9d: {  	[timem:s6], [sflag:s22] =	dma.local [hbm:s4], s20  }
0x9e: {  	_ =	swait.ge [sflag:s22], s20  }
0x9f: {  	s3 =	ssub.s32 $0x0, s20;
	[sflag:s22] =	ssyncset.done $0x0  }
0xa0: {  	[sflag:s22] =	ssyncadd.s32 s3;
	_ =	sdelay $0x1  }
0xa1: {  	s23 =	simm.s32 $0x1B8B  }
0xa2: {  	_ =	swait.ge [sflag:s23], $0x1  }
0xa3: {  	[sflag:s23] =	ssyncset.done $0x0  }
0xa4: {  	s25 =	simm.s32 $0x1B8E;
	s24 =	sld [smem:$0x3FFE];
	[sflag:s23] =	ssyncadd.s32 $0xFFFFFFFF  }
0xa5: {  	s26 =	simm.s32 $execute0_lowered;
	[smem:$0x3FD2] =	sst s25  }
0xa6: {  	s4 =	sshll.u32 s26, $0x1;
	_ =	strace $0x80000049;
	[dreg:$0x1] =	wrdreg $0xFFFFFFFF  }
0xa7: {  	s28 =	simm.s32 $_size_execute0_lowered;
	s2 =	sadd.s32 s2, s4;
	[dreg:$0x0] =	wrdreg $0x0  }
0xa8: {  	s4 =	sshll.u32 s28, $0x1;
	[dreg:$0x2] =	wrdreg s2  }
0xa9: {  	[dreg:$0x3] =	wrdreg s4  }
0xaa: {  	[dreg:$0x4] =	wrdreg $0xC0  }
0xab: {  	_ =	task [dreg:s6], $0x5FFFF  }
0xac: {  	[dreg:$0x1] =	wrdreg $0xFFFFFFFF  }
0xad: {  	[dreg:$0x0] =	wrdreg $0x60  }
0xae: {  	[dreg:$0x2] =	wrdreg s24  }
0xaf: {  	[dreg:$0x3] =	wrdreg $0x9  }
0xb0: {  	_ =	task.clear_ibuf [dreg:s6], $0x4FFFF;
	_ =	strace $0x90000049  }
0xb1: {  	s29 =	simm.s32 $0x9;
	_ =	strace $0x8000004B  }
0xb2: {  	_ =	swait.ge [sflag:s29], $0x1  }
0xb3: {  	[sflag:s29] =	ssyncadd.s32 $0xFFFFFFFF  }
0xb4: {  	_ =	strace $0x9000004B  }
0xb5: {  	_ =	sfence  }
0xb6: {  	s30 =	sld [smem:$0x0];
	_ =	sdelay $0x2  }
0xb7: {  	s31 =	sshll.u32 s1, $0xD;
	s1 =	sshrl.u32 s1, $0x2  }
0xb8: {  	s3 =	sand.u32 $0x4000, s31;
	s1 =	sadd.s32 s1, s30  }
0xb9: {  	s0 =	sor.u32 s3, s0;
	s1 =	sshll.u32 s1, $0x11  }
0xba: {  	s0 =	sor.u32 s1, s0  }
0xbb: {  	s0 =	sadd.s32 $0x8F2B, s0  }
0xbc: {  	[sflag:s0] =	ssyncadd.remote.s32 $0x1  }
0xbd: {  	_ =	sfence.sel $0xFFFF  }
0xbe: {  	[dreg:$0x0] =	wrdreg $0xFFFFFFFF;
	(pc) =	sbr.abs _section_cstart, $3  }
0xbf: {  	[dreg:$0x1] =	wrdreg $0xFFFFFFFF  }
0xc0: {  	_ =	task.clear_ibuf [dreg:s6], $0x2FFFF;
	_ =	strace $0x9FFFFFFF  }
0xc1: {  	(tm) =	ssettm $0x7FFFFFFF  }
tec
execute0_lowered:
.L_overlay_start_1:
0x0: {  	(tag) =	ssettag $0x1  }
0x1: {  	s7 =	rddreg [dreg:$0x0]  }
0x2: {  	s0 =	rddreg [dreg:$0x1];
	_ =	strace $0x8000004A  }
0x3: {  	s1 =	srdreg.scid;
	s4 =	simm.s32 $0x1;
	s9 =	simm.s32 $0x3  }
0x4: {  	s12 =	simm.s32 $0x0;
	s10 =	simm.s32 $0x0;
	s5 =	sshll.u32 s1, $0x4  }
.Ltmp0:
0x5: {  	s1 =	stileid.u32;
	s5 =	sand.u32 $0x10, s5;
	(pc) =	sbr.rel .LBB2_1-.Ltmp0, $4  }
0x6: {  	s2 =	sadd.s32 $0xAE800, s7;
	s3 =	sadd.s32 $0xCEA00, s7;
	s6 =	sor.u32 s1, s5  }
0x7: {  	[sflag:s4] =	ssyncpa.u1 $0x0;
	s5 =	simm.s32 $0x2;
	s6 =	sshll.u32 s6, $0x6  }
0x8: {  	s7 =	sadd.s32 $0xCF800, s7;
	[sflag:s5] =	ssyncpa.u1 $0x0;
	s8 =	sadd.s32 $0x40, s6  }
0x9: {  	vm0 =	vmmov $0xff;
	vm1 =	vcmask $0x3F20;
	[sflag:s9] =	ssyncpa.u1 $0x0;
	s9 =	simm.s32 $0x40;
	s11 =	smov.u32 s6  }
.LBB2_9:
0xa: {  	p0 =	seq.s32 s10, $0x2  }
.Ltmp1:
0xb: {  	_ = 	snop;
	(pc) =	sbr.rel @p0 .LBB2_11-.Ltmp1, $1  }
0xc: {  	_ =	sdelay $0x3  }
.LBB2_10:
0xd: {  	s12 =	sadd.s32 $0x40, s11  }
0xe: {  	s13 =	smov.u32 s6;
	p0 =	slt.s32 s12, s8  }
0xf: {  	s13 =	smov.u32 @p0 s12  }
0x10: {  	s10 =	sadd.s32 $0x1, s10;
	s12 =	smov.u32 s11;
	s11 =	smov.u32 s13  }
.LBB2_1:
0x11: {  	p0 =	sne.s32 s10, $0x0  }
.Ltmp2:
0x12: {  	_ = 	snop;
	(pc) =	sbr.rel @!p0 .LBB2_2-.Ltmp2, $1  }
0x13: {  	_ =	sdelay $0x3  }
0x14: {  	s13 =	sand.u32 $0x1, s10  }
0x15: {  	p0 =	seq.s32 s13, $0x0  }
.Ltmp3:
0x16: {  	_ = 	snop;
	(pc) =	sbr.rel @p0 .LBB2_9-.Ltmp3, $1  }
0x17: {  	_ =	sdelay $0x3  }
0x18: {  	_ =	swait.ge [sflag:s5], $0x40  }
0x19: {  	[sflag:s5] =	ssyncset.done $0x0  }
0x1a: {  	s13 =	simm.s32 $0x0;
	[sflag:s5] =	ssyncadd.s32 $0xFFFFFFC0  }
0x1b: {  	v0 =	vld.msk [tilespmem:s13+$0x40 ss:$0x1], $0xffff;
	_ =	sdelay $0x4  }
0x1c: {  	v1 =	vshll.u32 v0, $0x3  }
0x1d: {  	vm2 =	veq.s32 v0, $0x80000000;
	v0 =	vshll.u32 v0, $0x10;
	v1 =	vand.u32 $0xFF80, v1  }
0x1e: {  	v0 =	vand.u32 $0xF0000, v0;
	v1 =	vsel vm2, $0xFFFFFF80, v1  }
0x1f: {  	v0 =	vsel vm2, $0xFFFF0000, v0;
	v2 =	vand.u32 $0xFFFFFC00, v1  }
0x20: {  	v1 =	vand.u32 $0x380, v1;
	v0 =	vadd.s32 v0, v2  }
0x21: {  	v0 =	vor.u32 v1, v0  }
0x22: {  	v0 =	vshrl.u32 v0, $0x3;
	_ =	sdelay $0x3  }
0x23: {  	s13 =	simm.s32 $0x2080  }
0x24: {  	[tilespmem:s13], [sflag:$0x1] =	stream.indirect_vreg.gather [hbm:s2], $0x80, v0, vm0, $0x38;
	[tilespmem:$0x4080] =	vst v63  }
0x25: {  	s14 =	simm.s32 $0x2480;
	s31 =	simm.s32 $0x10  }
0x26: {  	[tilespmem:s14], [sflag:$0x1] =	stream.indirect_vreg.gather [hbm:s2], $0x80, v0, vm1, $0x38;
	[tilespmem:$0x4080] =	vst v63  }
0x27: {  	s14 =	simm.s32 $0x80;
	v0 =	vld.msk [tilespmem:s31+$0x40 ss:$0x1], $0xffff  }
.LBB2_5:
0x28: {  	p0 =	sne.s32 s14, $0xC0;
	_ =	sdelay $0x4  }
0x29: {  	v1 =	vshll.u32 v0, $0x3  }
0x2a: {  	vm2 =	veq.s32 v0, $0x80000000;
	v0 =	vshll.u32 v0, $0x10;
	v1 =	vand.u32 $0xFF80, v1  }
0x2b: {  	v0 =	vand.u32 $0xF0000, v0;
	v1 =	vsel vm2, $0xFFFFFF80, v1  }
0x2c: {  	v0 =	vsel vm2, $0xFFFF0000, v0;
	v2 =	vand.u32 $0xFFFFFC00, v1  }
0x2d: {  	v1 =	vand.u32 $0x380, v1;
	v0 =	vadd.s32 v0, v2  }
0x2e: {  	v0 =	vor.u32 v1, v0  }
0x2f: {  	v0 =	vshrl.u32 v0, $0x3;
	_ =	sdelay $0x3  }
.Ltmp4:
0x30: {  	s13 =	sadd.s32 $0x800, s13;
	(pc) =	sbr.rel @p0 .LBB2_5-.Ltmp4, $4  }
0x31: {  	[tilespmem:s13], [sflag:$0x1] =	stream.indirect_vreg.gather [hbm:s2], $0x80, v0, vm0, $0x38;
	[tilespmem:$0x4080] =	vst v63  }
0x32: {  	s15 =	sshra.s32 s14, $0x2;
	s16 =	sadd.s32 $0x400, s13  }
0x33: {  	[tilespmem:s16], [sflag:$0x1] =	stream.indirect_vreg.gather [hbm:s2], $0x80, v0, vm1, $0x38;
	[tilespmem:$0x4080] =	vst v63  }
0x34: {  	s14 =	sadd.s32 $0x40, s14;
	v0 =	vld.msk [tilespmem:s15+$0x40 ss:$0x1], $0xffff  }
0x35: {  	_ =	sdelay $0x3  }
0x36: {  	v1 =	vshll.u32 v0, $0x3  }
0x37: {  	vm2 =	veq.s32 v0, $0x80000000;
	v63 =	vshll.u32 v0, $0x10;
	v1 =	vand.u32 $0xFF80, v1  }
0x38: {  	v0 =	vand.u32 $0xF0000, v63;
	v1 =	vsel vm2, $0xFFFFFF80, v1  }
0x39: {  	v0 =	vsel vm2, $0xFFFF0000, v0;
	v2 =	vand.u32 $0xFFFFFC00, v1  }
0x3a: {  	v1 =	vand.u32 $0x380, v1;
	v0 =	vadd.s32 v0, v2  }
0x3b: {  	v0 =	vor.u32 v1, v0  }
0x3c: {  	v0 =	vshrl.u32 v0, $0x3;
	_ =	sdelay $0x3  }
0x3d: {  	s13 =	sadd.s32 $0x800, s13  }
0x3e: {  	[tilespmem:s13], [sflag:$0x1] =	stream.indirect_vreg.gather [hbm:s2], $0x80, v0, vm0, $0x38;
	[tilespmem:$0x4080] =	vst v63  }
0x3f: {  	s13 =	sadd.s32 $0x400, s13  }
0x40: {  	[tilespmem:s13], [sflag:$0x1] =	stream.indirect_vreg.gather [hbm:s2], $0x80, v0, vm1, $0x38;
	[tilespmem:$0x4080] =	vst v63  }
0x41: {  	s12 =	sshll.u32 s12, $0x4;
	s14 =	simm.s32 $0x80;
	_ =	swait.ge [sflag:s4], $0x2000  }
0x42: {  	s15 =	simm.s32 $0x2480;
	s12 =	sadd.s32 s12, s7;
	[sflag:s4] =	ssyncset.done $0x0  }
0x43: {  	s16 =	sadd.s32 $0x0, s12;
	s13 =	simm.s32 $0x2080;
	[sflag:s4] =	ssyncadd.s32 $0xFFFFE000  }
.LBB2_7:
0x44: {  	[hbm:s16] =	stream.linear.scatter [tilespmem:s13], [sflag:$0x3], $0x400, $0x38;
	[tilespmem:$0x4080] =	vst v63  }
0x45: {  	s16 =	smov.u32 s14;
	s13 =	smov.u32 s15;
	p0 =	sne.s32 s14, $0x380  }
.Ltmp5:
0x46: {  	s14 =	sadd.s32 $0x80, s14;
	(pc) =	sbr.rel @p0 .LBB2_7-.Ltmp5, $2  }
0x47: {  	_ =	sdelay $0x2  }
0x48: {  	s15 =	sadd.s32 $0x400, s15;
	s16 =	sadd.s32 s16, s12  }
.Ltmp6:
0x49: {  	(pc) =	sbr.rel .LBB2_9-.Ltmp6, $2  }
0x4a: {  	_ =	sdelay $0x2  }
0x4b: {  	[hbm:s16] =	stream.linear.scatter [tilespmem:s13], [sflag:$0x3], $0x400, $0x38;
	[tilespmem:$0x4080] =	vst v63  }
.LBB2_2:
.Ltmp7:
0x4c: {  	(pc) =	sbr.rel .LBB2_10-.Ltmp7, $4  }
0x4d: {  	_ = 	snop  }
0x4e: {  	s12 =	sshrl.u32 s11, $0x3  }
0x4f: {  	s13 =	sand.u32 $0x7, s11;
	s12 =	sadd.s32 s3, s12  }
0x50: {  	[tilespmem:s9], [sflag:$0x2] =	stream.linear.gather [hbm4b:s12+s13], $0x40, $0x38;
	[tilespmem:$0x4080] =	vst v63  }
.LBB2_11:
0x51: {  	s2 =	simm.s32 $0x3  }
0x52: {  	_ =	swait.ge [sflag:s2], $0x2000  }
0x53: {  	[sflag:s2] =	ssyncset.done $0x0  }
0x54: {  	[sflag:s2] =	ssyncadd.s32 $0xFFFFE000  }
0x55: {  	_ =	sfence.sel $0x180000  }
0x56: {  	s3 =	simm.s32 $0x2;
	[bflag:$0x0] =	sbarrier.arrive $0xFFFF  }
0x57: {  	[sflag:s3] =	ssyncpa.u1 $0x1  }
0x58: {  	s31 =	simm.s32 $0x1;
	[sflag:s2] =	ssyncpa.u1 $0x1  }
0x59: {  	[sflag:s31] =	ssyncpa.u1 $0x1  }
0x5a: {  	p0 =	sne.s32 s1, $0x0;
	_ =	strace $0x9000004A  }
0x5b: {  	s0 =	sadd.s32 @!p0 $0x100000, s0;
	[bflag:$0x2] =	sbarrier.arrive $0xFFFF  }
0x5c: {  	[sflag:s0] =	ssyncadd.tile.s32 @!p0 $0x1;
	_ =	shalt  }
.Lfunc_end2:
_tile_overlayer_lowered:
.L_overlay_start_2:
0x5d: {  	(tag) =	ssettag $0x2  }
0x5e: {  	s0 =	rddreg [dreg:$0x0];
	s2 =	stileid.u32  }
0x5f: {  	s1 =	rddreg [dreg:$0x1];
	p0 =	sne.s32 s2, $0x0  }
0x60: {  	s3 =	rddreg [dreg:$0x2];
	[bflag:$0x3] =	sbarrier.arrive $0xFFFF;
	s2 =	simm.s32 @!p0 $0x1C01  }
0x61: {  	[timem:s3], [sflag:s2] =	dma.local @!p0 [hbm:s0], s1  }
0x62: {  	s0 =	simm.s32 @!p0 $0x1  }
0x63: {  	_ =	swait.ge @!p0 [sflag:s0], s1  }
0x64: {  	s1 =	ssub.s32 @!p0 $0x0, s1;
	[sflag:s0] =	ssyncset.done @!p0 $0x0  }
0x65: {  	[sflag:s0] =	ssyncadd.s32 @!p0 s1  }
0x66: {  	[bflag:$0x3] =	sbarrier.arrive $0xFFFF  }
0x67: {  	_ =	shalt  }

// kernel: gather_offload_async_start
scs
__scs_entry_jumppad:
0x0: {  	(pc) =	sbr.rel $0x88, $3  }
0x1: {  	(tag) =	ssettag $0x0;
	lr =	simm.s32 $0x1  }
0x2: {  	[smem:$0x3F59] =	sst lr;
	_ =	strace $0xD0000000  }
0x3: {  	_ = 	snop  }
0x4: {  	_ = 	snop  }
0x5: {  	_ = 	snop  }
0x6: {  	_ = 	snop  }
0x7: {  	_ = 	snop  }
__scs_overlays_trampoline_lowered:
0x8: {  	[smem:$0x3F68] =	sst s0  }
0x9: {  	[smem:$0x3F69] =	sst s1  }
0xa: {  	[smem:$0x3F6A] =	sst s2  }
0xb: {  	[smem:$0x3F6B] =	sst s3  }
0xc: {  	[smem:$0x3F6C] =	sst s4  }
0xd: {  	[smem:$0x3F6D] =	sst s5  }
0xe: {  	[smem:$0x3F6E] =	sst s6  }
0xf: {  	[smem:$0x3F6F] =	sst s7  }
0x10: {  	[smem:$0x3F70] =	sst s8  }
0x11: {  	[smem:$0x3F71] =	sst s9;
	s0 =	simm.s32 @!p0 $0x0  }
0x12: {  	s1 =	sld [smem:$0x3F57];
	s0 =	simm.s32 @p0 $0x1  }
0x13: {  	[smem:$0x3F72] =	sst s0;
	s0 =	simm.s32 @!p1 $0x0  }
0x14: {  	s2 =	sld [smem:$0x3F56];
	s0 =	simm.s32 @p1 $0x1  }
0x15: {  	[smem:$0x3F73] =	sst s0;
	s0 =	simm.s32 @!p2 $0x0  }
0x16: {  	s3 =	sld [smem:$0x3FDB];
	s0 =	simm.s32 @p2 $0x1  }
0x17: {  	s4 =	simm.s32 $0x1BF5;
	[smem:$0x3F75] =	sst s0  }
0x18: {  	s0 =	sld [smem:$0x3F58];
	_ =	swait.ge [sflag:s4], $0x0  }
0x19: {  	s7 =	sld [smem:$0x3F59]  }
0x1a: {  	s8 =	sadd.s32 $0xFFFFE003, lr  }
0x1b: {  	s9 =	sadd.s32 $0xFFFFFEF7, lr;
	s5 =	simm.s32 $0xFFFFFFFF;
	p2 =	slt.u32 s8, $0xFFFFF086  }
0x1c: {  	p1 =	slt.u32 s9, $0xF7A;
	s5 =	simm.s32 @!p2 $0x0  }
0x1d: {  	s5 =	simm.s32 @p1 $0x1;
	p0 =	seq.s32 s7, s2  }
0x1e: {  	s7 =	smul.u32 @!p0 $0xF7A, s2;
	p2 =	seq.s32 @!p0 s5, $0x0  }
0x1f: {  	s9 =	smul.u32 $0xF7A, s1;
	s8 =	simm.s32 @!p0 $0x1BF5;
	p2 =	por !p2, p0  }
0x20: {  	[sflag:s8] =	ssyncset.s32 @!p0 $0xFFFFF086;
	s6 =	sadd.s32 @!p0 s3, s7;
	s7 =	simm.s32 @!p0 $0x108  }
0x21: {  	s3 =	sadd.s32 s3, s9;
	s6 =	sadd.s32 @!p0 $0x88, s6;
	s7 =	simm.s32 @p2 $0x1082  }
0x22: {  	[simem:s7], [sflag:s8] =	dma.local @!p0 [hbm:s6], $0xF7A  }
0x23: {  	s9 =	sor.u32 $0xD0000000, s2;
	s6 =	simm.s32 $0x108;
	_ =	swait.ge @!p0 [sflag:s8], $0x0  }
0x24: {  	s3 =	sadd.s32 $0x88, s3;
	s6 =	simm.s32 @!p1 $0x1082;
	[sflag:s4] =	ssyncset.s32 $0xFFFFF086  }
0x25: {  	[simem:s6], [sflag:s4] =	dma.local [hbm:s3], $0xF7A  }
0x26: {  	[smem:$0x3F59] =	sst s1;
	(tag) =	ssettag s2;
	_ =	strace s9  }
0x27: {  	s1 =	sld [smem:$0x3F69]  }
0x28: {  	s2 =	sld [smem:$0x3F6A]  }
0x29: {  	s4 =	sld [smem:$0x3F6C]  }
0x2a: {  	p0 =	seq.s32 s5, $0x0;
	s5 =	sld [smem:$0x3F6D]  }
0x2b: {  	s6 =	sld [smem:$0x3F6E]  }
0x2c: {  	s7 =	sld [smem:$0x3F6F]  }
0x2d: {  	s3 =	simm.s32 $0x108;
	s8 =	sld [smem:$0x3F70]  }
0x2e: {  	s3 =	simm.s32 @!p0 $0x1082;
	s9 =	sld [smem:$0x3F71]  }
0x2f: {  	lr =	sadd.s32 s0, s3;
	s0 =	sld [smem:$0x3F68]  }
0x30: {  	s3 =	sld [smem:$0x3F6B]  }
0x31: {  	[smem:$0x3F74] =	sst s10  }
0x32: {  	s10 =	sld [smem:$0x3F72];
	_ =	sdelay $0x3  }
0x33: {  	p0 =	seq.s32 s10, $0x1;
	s10 =	sld [smem:$0x3F74];
	_ =	sdelay $0x3  }
0x34: {  	[smem:$0x3F74] =	sst s10  }
0x35: {  	s10 =	sld [smem:$0x3F73];
	_ =	sdelay $0x3  }
0x36: {  	p1 =	seq.s32 s10, $0x1;
	s10 =	sld [smem:$0x3F74];
	_ =	sdelay $0x3  }
0x37: {  	[smem:$0x3F74] =	sst s10  }
0x38: {  	s10 =	sld [smem:$0x3F75]  }
0x39: {  	_ = 	snop;
	(pc) =	sbr.ind lr, $3  }
0x3a: {  	_ = 	snop  }
0x3b: {  	_ = 	snop  }
0x3c: {  	p2 =	seq.s32 s10, $0x1;
	s10 =	sld [smem:$0x3F74]  }
0x3d: {  	_ =	shalt  }
0x3e: {  	_ =	shalt  }
0x3f: {  	_ =	shalt  }
0x40: {  	_ =	shalt  }
0x41: {  	_ =	shalt  }
0x42: {  	_ =	shalt  }
0x43: {  	_ =	shalt  }
0x44: {  	_ =	shalt  }
0x45: {  	_ =	shalt  }
0x46: {  	_ =	shalt  }
0x47: {  	_ =	shalt  }
0x48: {  	_ =	shalt  }
0x49: {  	_ =	shalt  }
0x4a: {  	_ =	shalt  }
0x4b: {  	_ =	shalt  }
0x4c: {  	_ =	shalt  }
0x4d: {  	_ =	shalt  }
0x4e: {  	_ =	shalt  }
0x4f: {  	_ =	shalt  }
0x50: {  	_ =	shalt  }
0x51: {  	_ =	shalt  }
0x52: {  	_ =	shalt  }
0x53: {  	_ =	shalt  }
0x54: {  	_ =	shalt  }
0x55: {  	_ =	shalt  }
0x56: {  	_ =	shalt  }
0x57: {  	_ =	shalt  }
0x58: {  	_ =	shalt  }
0x59: {  	_ =	shalt  }
0x5a: {  	_ =	shalt  }
0x5b: {  	_ =	shalt  }
0x5c: {  	_ =	shalt  }
0x5d: {  	_ =	shalt  }
0x5e: {  	_ =	shalt  }
0x5f: {  	_ =	shalt  }
0x60: {  	_ =	shalt  }
0x61: {  	_ =	shalt  }
0x62: {  	_ =	shalt  }
0x63: {  	_ =	shalt  }
0x64: {  	_ =	shalt  }
0x65: {  	_ =	shalt  }
0x66: {  	_ =	shalt  }
0x67: {  	_ =	shalt  }
0x68: {  	_ =	shalt  }
0x69: {  	_ =	shalt  }
0x6a: {  	_ =	shalt  }
0x6b: {  	_ =	shalt  }
0x6c: {  	_ =	shalt  }
0x6d: {  	_ =	shalt  }
0x6e: {  	_ =	shalt  }
0x6f: {  	_ =	shalt  }
0x70: {  	_ =	shalt  }
0x71: {  	_ =	shalt  }
0x72: {  	_ =	shalt  }
0x73: {  	_ =	shalt  }
0x74: {  	_ =	shalt  }
0x75: {  	_ =	shalt  }
0x76: {  	_ =	shalt  }
0x77: {  	_ =	shalt  }
0x78: {  	_ =	shalt  }
0x79: {  	_ =	shalt  }
0x7a: {  	_ =	shalt  }
0x7b: {  	_ =	shalt  }
0x7c: {  	_ =	shalt  }
0x7d: {  	_ =	shalt  }
0x7e: {  	_ =	shalt  }
0x7f: {  	_ =	shalt  }
0x80: {  	_ =	shalt  }
0x81: {  	_ =	shalt  }
0x82: {  	_ =	shalt  }
0x83: {  	_ =	shalt  }
0x84: {  	_ =	shalt  }
0x85: {  	_ =	shalt  }
0x86: {  	_ =	shalt  }
0x87: {  	_ =	shalt  }
.Lfunc_end0:
.L_simem_size_0:
called_computation_lowered:
.L_overlay_start_0:
0x88: {  	s2 =	sld [smem:$0x3FD9]  }
0x89: {  	s3 =	sld [smem:$0x3FFE];
	_ =	sdelay $0x1  }
0x8a: {  	s1 =	srdreg.scid  }
0x8b: {  	s0 =	sand.u32 $0x1, s1  }
0x8c: {  	s16 =	sshll.u32 s0, $0xA;
	s2 =	sadd.s32 s3, s2  }
0x8d: {  	s2 =	sadd.s32 s2, s16  }
0x8e: {  	[smem:$0x3F80] =	sst s2  }
0x8f: {  	_ = 	snop  }
0x90: {  	(tm) =	ssettm $0x1  }
0x91: {  	s17 =	sld [smem:$0x3FFB];
	_ =	sdelay $0x3  }
0x92: {  	_ =	strace s17  }
0x93: {  	s2 =	sld [smem:$0x3FFC];
	_ =	sdelay $0x3  }
0x94: {  	_ =	strace s2  }
0x95: {  	s2 =	sld [smem:$0x3FFD];
	_ =	sdelay $0x3  }
0x96: {  	_ =	strace s2  }
0x97: {  	_ =	strace $0x8FFFFFFF  }
0x98: {  	s18 =	sld [smem:$0x3FDB];
	_ =	sdelay $0x1  }
0x99: {  	s19 =	simm.s32 $_scs_section_size  }
0x9a: {  	s4 =	simm.s32 $_size__tile_overlayer_lowered;
	s5 =	simm.s32 $_tile_overlayer_lowered  }
0x9b: {  	s22 =	simm.s32 $0x1BFF;
	s21 =	sshll.u32 s5, $0x1;
	s2 =	sadd.s32 s19, s18  }
0x9c: {  	s6 =	simm.s32 $0x0;
	s20 =	sshll.u32 s4, $0x1;
	s4 =	sadd.s32 s21, s2  }
0x9d: {  	[timem:s6], [sflag:s22] =	dma.local [hbm:s4], s20  }
0x9e: {  	_ =	swait.ge [sflag:s22], s20  }
0x9f: {  	s3 =	ssub.s32 $0x0, s20;
	[sflag:s22] =	ssyncset.done $0x0  }
0xa0: {  	[sflag:s22] =	ssyncadd.s32 s3;
	_ =	sdelay $0x1  }
0xa1: {  	s23 =	simm.s32 $0x1B8B  }
0xa2: {  	_ =	swait.ge [sflag:s23], $0x1  }
0xa3: {  	[sflag:s23] =	ssyncset.done $0x0  }
0xa4: {  	s25 =	simm.s32 $0x1B8E;
	s24 =	sld [smem:$0x3FFE];
	[sflag:s23] =	ssyncadd.s32 $0xFFFFFFFF  }
0xa5: {  	s26 =	simm.s32 $execute0_lowered;
	[smem:$0x3FD2] =	sst s25  }
0xa6: {  	s4 =	sshll.u32 s26, $0x1;
	_ =	strace $0x80000046;
	[dreg:$0x1] =	wrdreg $0xFFFFFFFF  }
0xa7: {  	s28 =	simm.s32 $_size_execute0_lowered;
	s2 =	sadd.s32 s2, s4;
	[dreg:$0x0] =	wrdreg $0x0  }
0xa8: {  	s4 =	sshll.u32 s28, $0x1;
	[dreg:$0x2] =	wrdreg s2  }
0xa9: {  	[dreg:$0x3] =	wrdreg s4  }
0xaa: {  	[dreg:$0x4] =	wrdreg $0xC0  }
0xab: {  	_ =	task [dreg:s6], $0x5FFFF  }
0xac: {  	[dreg:$0x1] =	wrdreg $0xFFFFFFFF  }
0xad: {  	[dreg:$0x0] =	wrdreg $0x60  }
0xae: {  	[dreg:$0x2] =	wrdreg s24  }
0xaf: {  	[dreg:$0x3] =	wrdreg $0x9  }
0xb0: {  	_ =	task.clear_ibuf [dreg:s6], $0x4FFFF;
	_ =	strace $0x90000046  }
0xb1: {  	s29 =	simm.s32 $0x9;
	_ =	strace $0x80000048  }
0xb2: {  	_ =	swait.ge [sflag:s29], $0x1  }
0xb3: {  	[sflag:s29] =	ssyncadd.s32 $0xFFFFFFFF  }
0xb4: {  	_ =	strace $0x90000048  }
0xb5: {  	_ =	sfence  }
0xb6: {  	s30 =	sld [smem:$0x0];
	_ =	sdelay $0x2  }
0xb7: {  	s31 =	sshll.u32 s1, $0xD;
	s1 =	sshrl.u32 s1, $0x2  }
0xb8: {  	s3 =	sand.u32 $0x4000, s31;
	s1 =	sadd.s32 s1, s30  }
0xb9: {  	s0 =	sor.u32 s3, s0;
	s1 =	sshll.u32 s1, $0x11  }
0xba: {  	s0 =	sor.u32 s1, s0  }
0xbb: {  	s0 =	sadd.s32 $0x8F2B, s0  }
0xbc: {  	[sflag:s0] =	ssyncadd.remote.s32 $0x1  }
0xbd: {  	_ =	sfence.sel $0xFFFF  }
0xbe: {  	[dreg:$0x0] =	wrdreg $0xFFFFFFFF;
	(pc) =	sbr.abs _section_cstart, $3  }
0xbf: {  	[dreg:$0x1] =	wrdreg $0xFFFFFFFF  }
0xc0: {  	_ =	task.clear_ibuf [dreg:s6], $0x2FFFF;
	_ =	strace $0x9FFFFFFF  }
0xc1: {  	(tm) =	ssettm $0x7FFFFFFF  }
tec
execute0_lowered:
.L_overlay_start_1:
0x0: {  	(tag) =	ssettag $0x1  }
0x1: {  	s7 =	rddreg [dreg:$0x0]  }
0x2: {  	s0 =	rddreg [dreg:$0x1];
	_ =	strace $0x80000047  }
0x3: {  	s1 =	srdreg.scid;
	s4 =	simm.s32 $0x1;
	s9 =	simm.s32 $0x3  }
0x4: {  	s12 =	simm.s32 $0x0;
	s10 =	simm.s32 $0x0;
	s5 =	sshll.u32 s1, $0x4  }
.Ltmp0:
0x5: {  	s1 =	stileid.u32;
	s5 =	sand.u32 $0x10, s5;
	(pc) =	sbr.rel .LBB2_1-.Ltmp0, $4  }
0x6: {  	s2 =	sadd.s32 $0x1C00, s7;
	s3 =	sadd.s32 $0x81C00, s7;
	s6 =	sor.u32 s1, s5  }
0x7: {  	[sflag:s4] =	ssyncpa.u1 $0x0;
	s5 =	simm.s32 $0x2;
	s6 =	sshll.u32 s6, $0x8  }
0x8: {  	s7 =	sadd.s32 $0xAE800, s7;
	[sflag:s5] =	ssyncpa.u1 $0x0;
	s8 =	sadd.s32 $0x100, s6  }
0x9: {  	vm0 =	vmmov $0xff;
	vm1 =	vcmask $0x3F20;
	[sflag:s9] =	ssyncpa.u1 $0x0;
	s9 =	simm.s32 $0x100;
	s11 =	smov.u32 s6  }
.LBB2_9:
0xa: {  	p0 =	seq.s32 s10, $0x2  }
.Ltmp1:
0xb: {  	_ = 	snop;
	(pc) =	sbr.rel @p0 .LBB2_11-.Ltmp1, $1  }
0xc: {  	_ =	sdelay $0x3  }
.LBB2_10:
0xd: {  	s12 =	sadd.s32 $0x100, s11  }
0xe: {  	s13 =	smov.u32 s6;
	p0 =	slt.s32 s12, s8  }
0xf: {  	s13 =	smov.u32 @p0 s12  }
0x10: {  	s10 =	sadd.s32 $0x1, s10;
	s12 =	smov.u32 s11;
	s11 =	smov.u32 s13  }
.LBB2_1:
0x11: {  	p0 =	sne.s32 s10, $0x0  }
.Ltmp2:
0x12: {  	_ = 	snop;
	(pc) =	sbr.rel @!p0 .LBB2_2-.Ltmp2, $1  }
0x13: {  	_ =	sdelay $0x3  }
0x14: {  	s13 =	sand.u32 $0x1, s10  }
0x15: {  	p0 =	seq.s32 s13, $0x0  }
.Ltmp3:
0x16: {  	_ = 	snop;
	(pc) =	sbr.rel @p0 .LBB2_9-.Ltmp3, $1  }
0x17: {  	_ =	sdelay $0x3  }
0x18: {  	_ =	swait.ge [sflag:s5], $0x100  }
0x19: {  	[sflag:s5] =	ssyncset.done $0x0  }
0x1a: {  	s13 =	simm.s32 $0x0;
	[sflag:s5] =	ssyncadd.s32 $0xFFFFFF00  }
0x1b: {  	v0 =	vld.msk [tilespmem:s13+$0x100 ss:$0x1], $0xffff;
	_ =	sdelay $0x4  }
0x1c: {  	v1 =	vshll.u32 v0, $0x3  }
0x1d: {  	vm2 =	veq.s32 v0, $0x80000000;
	v0 =	vshll.u32 v0, $0x12;
	v1 =	vand.u32 $0x3FF80, v1  }
0x1e: {  	v0 =	vand.u32 $0x3C0000, v0;
	v1 =	vsel vm2, $0xFFFFFF80, v1  }
0x1f: {  	v0 =	vsel vm2, $0xFFFC0000, v0;
	v2 =	vand.u32 $0xFFFFFC00, v1  }
0x20: {  	v1 =	vand.u32 $0x380, v1;
	v0 =	vadd.s32 v0, v2  }
0x21: {  	v0 =	vor.u32 v1, v0  }
0x22: {  	v0 =	vshrl.u32 v0, $0x3;
	_ =	sdelay $0x3  }
0x23: {  	s13 =	simm.s32 $0x8200  }
0x24: {  	[tilespmem:s13], [sflag:$0x1] =	stream.indirect_vreg.gather [hbm:s2], $0x80, v0, vm0, $0x38;
	[tilespmem:$0x10200] =	vst v63  }
0x25: {  	s14 =	simm.s32 $0x8600;
	s31 =	simm.s32 $0x10  }
0x26: {  	[tilespmem:s14], [sflag:$0x1] =	stream.indirect_vreg.gather [hbm:s2], $0x80, v0, vm1, $0x38;
	[tilespmem:$0x10200] =	vst v63  }
0x27: {  	s14 =	simm.s32 $0x80;
	v0 =	vld.msk [tilespmem:s31+$0x100 ss:$0x1], $0xffff  }
.LBB2_5:
0x28: {  	p0 =	sne.s32 s14, $0x3C0;
	_ =	sdelay $0x4  }
0x29: {  	v1 =	vshll.u32 v0, $0x3  }
0x2a: {  	vm2 =	veq.s32 v0, $0x80000000;
	v0 =	vshll.u32 v0, $0x12;
	v1 =	vand.u32 $0x3FF80, v1  }
0x2b: {  	v0 =	vand.u32 $0x3C0000, v0;
	v1 =	vsel vm2, $0xFFFFFF80, v1  }
0x2c: {  	v0 =	vsel vm2, $0xFFFC0000, v0;
	v2 =	vand.u32 $0xFFFFFC00, v1  }
0x2d: {  	v1 =	vand.u32 $0x380, v1;
	v0 =	vadd.s32 v0, v2  }
0x2e: {  	v0 =	vor.u32 v1, v0  }
0x2f: {  	v0 =	vshrl.u32 v0, $0x3;
	_ =	sdelay $0x3  }
.Ltmp4:
0x30: {  	s13 =	sadd.s32 $0x800, s13;
	(pc) =	sbr.rel @p0 .LBB2_5-.Ltmp4, $4  }
0x31: {  	[tilespmem:s13], [sflag:$0x1] =	stream.indirect_vreg.gather [hbm:s2], $0x80, v0, vm0, $0x38;
	[tilespmem:$0x10200] =	vst v63  }
0x32: {  	s15 =	sshra.s32 s14, $0x2;
	s16 =	sadd.s32 $0x400, s13  }
0x33: {  	[tilespmem:s16], [sflag:$0x1] =	stream.indirect_vreg.gather [hbm:s2], $0x80, v0, vm1, $0x38;
	[tilespmem:$0x10200] =	vst v63  }
0x34: {  	s14 =	sadd.s32 $0x40, s14;
	v0 =	vld.msk [tilespmem:s15+$0x100 ss:$0x1], $0xffff  }
0x35: {  	_ =	sdelay $0x3  }
0x36: {  	v1 =	vshll.u32 v0, $0x3  }
0x37: {  	vm2 =	veq.s32 v0, $0x80000000;
	v63 =	vshll.u32 v0, $0x12;
	v1 =	vand.u32 $0x3FF80, v1  }
0x38: {  	v0 =	vand.u32 $0x3C0000, v63;
	v1 =	vsel vm2, $0xFFFFFF80, v1  }
0x39: {  	v0 =	vsel vm2, $0xFFFC0000, v0;
	v2 =	vand.u32 $0xFFFFFC00, v1  }
0x3a: {  	v1 =	vand.u32 $0x380, v1;
	v0 =	vadd.s32 v0, v2  }
0x3b: {  	v0 =	vor.u32 v1, v0  }
0x3c: {  	v0 =	vshrl.u32 v0, $0x3;
	_ =	sdelay $0x3  }
0x3d: {  	s13 =	sadd.s32 $0x800, s13  }
0x3e: {  	[tilespmem:s13], [sflag:$0x1] =	stream.indirect_vreg.gather [hbm:s2], $0x80, v0, vm0, $0x38;
	[tilespmem:$0x10200] =	vst v63  }
0x3f: {  	s13 =	sadd.s32 $0x400, s13  }
0x40: {  	[tilespmem:s13], [sflag:$0x1] =	stream.indirect_vreg.gather [hbm:s2], $0x80, v0, vm1, $0x38;
	[tilespmem:$0x10200] =	vst v63  }
0x41: {  	s12 =	sshll.u32 s12, $0x4;
	s14 =	simm.s32 $0x80;
	_ =	swait.ge [sflag:s4], $0x8000  }
0x42: {  	s15 =	simm.s32 $0x8600;
	s12 =	sadd.s32 s12, s7;
	[sflag:s4] =	ssyncset.done $0x0  }
0x43: {  	s16 =	sadd.s32 $0x0, s12;
	s13 =	simm.s32 $0x8200;
	[sflag:s4] =	ssyncadd.s32 $0xFFFF8000  }
.LBB2_7:
0x44: {  	[hbm:s16] =	stream.linear.scatter [tilespmem:s13], [sflag:$0x3], $0x400, $0x38;
	[tilespmem:$0x10200] =	vst v63  }
0x45: {  	s16 =	smov.u32 s14;
	s13 =	smov.u32 s15;
	p0 =	sne.s32 s14, $0xF80  }
.Ltmp5:
0x46: {  	s14 =	sadd.s32 $0x80, s14;
	(pc) =	sbr.rel @p0 .LBB2_7-.Ltmp5, $2  }
0x47: {  	_ =	sdelay $0x2  }
0x48: {  	s15 =	sadd.s32 $0x400, s15;
	s16 =	sadd.s32 s16, s12  }
.Ltmp6:
0x49: {  	(pc) =	sbr.rel .LBB2_9-.Ltmp6, $2  }
0x4a: {  	_ =	sdelay $0x2  }
0x4b: {  	[hbm:s16] =	stream.linear.scatter [tilespmem:s13], [sflag:$0x3], $0x400, $0x38;
	[tilespmem:$0x10200] =	vst v63  }
.LBB2_2:
.Ltmp7:
0x4c: {  	(pc) =	sbr.rel .LBB2_10-.Ltmp7, $4  }
0x4d: {  	_ = 	snop  }
0x4e: {  	s12 =	sshrl.u32 s11, $0x3  }
0x4f: {  	s13 =	sand.u32 $0x7, s11;
	s12 =	sadd.s32 s3, s12  }
0x50: {  	[tilespmem:s9], [sflag:$0x2] =	stream.linear.gather [hbm4b:s12+s13], $0x100, $0x38;
	[tilespmem:$0x10200] =	vst v63  }
.LBB2_11:
0x51: {  	s2 =	simm.s32 $0x3  }
0x52: {  	_ =	swait.ge [sflag:s2], $0x8000  }
0x53: {  	[sflag:s2] =	ssyncset.done $0x0  }
0x54: {  	[sflag:s2] =	ssyncadd.s32 $0xFFFF8000  }
0x55: {  	_ =	sfence.sel $0x180000  }
0x56: {  	s3 =	simm.s32 $0x2;
	[bflag:$0x0] =	sbarrier.arrive $0xFFFF  }
0x57: {  	[sflag:s3] =	ssyncpa.u1 $0x1  }
0x58: {  	s31 =	simm.s32 $0x1;
	[sflag:s2] =	ssyncpa.u1 $0x1  }
0x59: {  	[sflag:s31] =	ssyncpa.u1 $0x1  }
0x5a: {  	p0 =	sne.s32 s1, $0x0;
	_ =	strace $0x90000047  }
0x5b: {  	s0 =	sadd.s32 @!p0 $0x100000, s0;
	[bflag:$0x2] =	sbarrier.arrive $0xFFFF  }
0x5c: {  	[sflag:s0] =	ssyncadd.tile.s32 @!p0 $0x1;
	_ =	shalt  }
.Lfunc_end2:
_tile_overlayer_lowered:
.L_overlay_start_2:
0x5d: {  	(tag) =	ssettag $0x2  }
0x5e: {  	s0 =	rddreg [dreg:$0x0];
	s2 =	stileid.u32  }
0x5f: {  	s1 =	rddreg [dreg:$0x1];
	p0 =	sne.s32 s2, $0x0  }
0x60: {  	s3 =	rddreg [dreg:$0x2];
	[bflag:$0x3] =	sbarrier.arrive $0xFFFF;
	s2 =	simm.s32 @!p0 $0x1C01  }
0x61: {  	[timem:s3], [sflag:s2] =	dma.local @!p0 [hbm:s0], s1  }
0x62: {  	s0 =	simm.s32 @!p0 $0x1  }
0x63: {  	_ =	swait.ge @!p0 [sflag:s0], s1  }
0x64: {  	s1 =	ssub.s32 @!p0 $0x0, s1;
	[sflag:s0] =	ssyncset.done @!p0 $0x0  }
0x65: {  	[sflag:s0] =	ssyncadd.s32 @!p0 s1  }
0x66: {  	[bflag:$0x3] =	sbarrier.arrive $0xFFFF  }
0x67: {  	_ =	shalt  }

</sc_bundles>
